<compile_context>
chip_gen: v7x
topology: tpu7x:2x2x1
jax: 0.10.2.dev20260603
libtpu: 0.0.44.dev20260713+nightly
codegen_flags: <defaults>
</compile_context>

<pallas_src>
import functools

import jax
import jax.numpy as jnp
import numpy as np
from jax.experimental import pallas as pl
from jax.experimental.pallas import tpu as pltpu

D_MODEL = 256
KNN = 16
NBLOCKS = 2
NPOINT = 2048



def _knn_body(src_ref, dst_ref, out_ref, *, n, k):
    s = src_ref[0]
    d = dst_ref[0]
    dn = jnp.sum(d * d, axis=0, keepdims=True)
    cross = jax.lax.dot_general(
        s, d, (((0,), (0,)), ((), ())),
        preferred_element_type=jnp.float32)
    dist = dn - 2.0 * cross
    tm = dist.shape[0]
    iota = jax.lax.broadcasted_iota(jnp.int32, (tm, n), 1)
    kcol = jax.lax.broadcasted_iota(jnp.int32, (tm, k), 1)
    acc = kcol * 0
    for j in range(k):
        m = jnp.min(dist, axis=1, keepdims=True)
        sel = dist <= m
        idx = jnp.min(jnp.where(sel, iota, n), axis=1, keepdims=True)
        acc = acc + (kcol == j).astype(jnp.int32) * idx
        dist = jnp.where(iota == idx, jnp.inf, dist)
    out_ref[0] = acc


def _knn_topk(src_t, dst_t, k):
    b, _, m = src_t.shape
    n = dst_t.shape[2]
    tm = min(m, 256)
    grid = (b, m // tm)
    return pl.pallas_call(
        functools.partial(_knn_body, n=n, k=k),
        grid=grid,
        in_specs=[
            pl.BlockSpec((1, 3, tm), lambda bi, mi: (bi, 0, mi)),
            pl.BlockSpec((1, 3, n), lambda bi, mi: (bi, 0, 0)),
        ],
        out_specs=pl.BlockSpec((1, tm, k), lambda bi, mi: (bi, mi, 0)),
        out_shape=jax.ShapeDtypeStruct((b, m, k), jnp.int32),
    )(src_t, dst_t)



def _fps_body(xyz_ref, out_ref, *, b, n, npoint):
    X = xyz_ref[0]
    Y = xyz_ref[1]
    Z = xyz_ref[2]
    lanes = jax.lax.broadcasted_iota(jnp.int32, (b, n), 1)
    ccol = jax.lax.broadcasted_iota(jnp.int32, (b, npoint), 1)

    def step(i, carry):
        cent, dist, far = carry
        cent = cent + (ccol == i).astype(jnp.int32) * far
        sel = lanes == far
        cx = jnp.sum(jnp.where(sel, X, 0.0), axis=1, keepdims=True)
        cy = jnp.sum(jnp.where(sel, Y, 0.0), axis=1, keepdims=True)
        cz = jnp.sum(jnp.where(sel, Z, 0.0), axis=1, keepdims=True)
        dx = X - cx
        dy = Y - cy
        dz = Z - cz
        d = (dx * dx + dy * dy) + dz * dz
        dist = jnp.minimum(dist, d)
        mx = jnp.max(dist, axis=1, keepdims=True)
        far = jnp.min(jnp.where(dist == mx, lanes, n), axis=1, keepdims=True)
        return cent, dist, far

    srow = jax.lax.broadcasted_iota(jnp.int32, (b, npoint), 0)
    cent0 = (ccol + srow) * 0
    dist0 = X * 0.0 + 1e10
    far0 = jnp.min(X * 0, axis=1, keepdims=True).astype(jnp.int32)
    cent, _, _ = jax.lax.fori_loop(0, npoint, step, (cent0, dist0, far0))
    out_ref[...] = cent


def _fps(xyz3, npoint):
    _, b, n = xyz3.shape
    return pl.pallas_call(
        functools.partial(_fps_body, b=b, n=n, npoint=npoint),
        out_shape=jax.ShapeDtypeStruct((b, npoint), jnp.int32),
    )(xyz3)



def _tb_body(xf_ref, fc1w_ref, fc1b_ref, wq_ref, wk_ref, wv_ref,
             fc2w_ref, fc2b_ref, out_ref, q_s, k_s, v_s, *, s_len, tq):
    fc1w = fc1w_ref[...]
    fc1b = fc1b_ref[...]
    wq = wq_ref[...]
    wk = wk_ref[...]
    wv = wv_ref[...]
    nt = s_len // tq
    for st in range(nt):
        xs = xf_ref[0, pl.ds(st * tq, tq), :]
        xm = jnp.dot(xs, fc1w, preferred_element_type=jnp.float32) + fc1b
        q_s[pl.ds(st * tq, tq), :] = jnp.dot(
            xm, wq, preferred_element_type=jnp.float32)
        k_s[pl.ds(st * tq, tq), :] = jnp.dot(
            xm, wk, preferred_element_type=jnp.float32)
        v_s[pl.ds(st * tq, tq), :] = jnp.dot(
            xm, wv, preferred_element_type=jnp.float32)
    fc2w = fc2w_ref[...]
    fc2b = fc2b_ref[...]
    kk = k_s[...]
    vv = v_s[...]
    scale = 1.0 / np.sqrt(256.0)
    for qt in range(nt):
        q = q_s[pl.ds(qt * tq, tq), :]
        logits = jax.lax.dot_general(
            q, kk, (((1,), (1,)), ((), ())),
            preferred_element_type=jnp.float32) * scale
        mx = jnp.max(logits, axis=1, keepdims=True)
        p = jnp.exp(logits - mx)
        sm = jnp.sum(p, axis=1, keepdims=True)
        attn = p / sm
        res = jnp.dot(attn, vv, preferred_element_type=jnp.float32)
        o = jnp.dot(res, fc2w, preferred_element_type=jnp.float32) + fc2b
        o = jax.nn.relu(o)
        xs = xf_ref[0, pl.ds(qt * tq, tq), :]
        out_ref[0, pl.ds(qt * tq, tq), :] = jax.nn.relu(o + xs)


def _transformer_block_long(xf, p):
    b, s_len, dp = xf.shape
    tq = 256
    grid = (b,)
    return pl.pallas_call(
        functools.partial(_tb_body, s_len=s_len, tq=tq),
        grid=grid,
        in_specs=[
            pl.BlockSpec((1, s_len, dp), lambda bi: (bi, 0, 0)),
            pl.BlockSpec((dp, D_MODEL), lambda bi: (0, 0)),
            pl.BlockSpec((D_MODEL,), lambda bi: (0,)),
            pl.BlockSpec((D_MODEL, D_MODEL), lambda bi: (0, 0)),
            pl.BlockSpec((D_MODEL, D_MODEL), lambda bi: (0, 0)),
            pl.BlockSpec((D_MODEL, D_MODEL), lambda bi: (0, 0)),
            pl.BlockSpec((D_MODEL, dp), lambda bi: (0, 0)),
            pl.BlockSpec((dp,), lambda bi: (0,)),
        ],
        out_specs=pl.BlockSpec((1, s_len, dp), lambda bi: (bi, 0, 0)),
        out_shape=jax.ShapeDtypeStruct((b, s_len, dp), jnp.float32),
        scratch_shapes=[
            pltpu.VMEM((s_len, D_MODEL), jnp.float32),
            pltpu.VMEM((s_len, D_MODEL), jnp.float32),
            pltpu.VMEM((s_len, D_MODEL), jnp.float32),
        ],
    )(xf, p['fc1_w'], p['fc1_b'], p['wq'], p['wk'], p['wv'],
      p['fc2_w'], p['fc2_b'])



def _index_points(points, idx):
    return jax.vmap(lambda p, i: p[i])(points, idx)


def _group_transformer(p, feat):
    x = feat @ p['fc1_w'] + p['fc1_b']
    q, k, v = x @ p['wq'], x @ p['wk'], x @ p['wv']
    attn = jnp.matmul(q, jnp.swapaxes(k, -1, -2))
    attn = jax.nn.softmax(attn / np.sqrt(k.shape[-1]), axis=-1)
    res = jnp.matmul(attn, v)
    return jax.nn.relu(res @ p['fc2_w'] + p['fc2_b'])


def _sa_forward(p, npoint, nsample, xyz_t, xyz, points):
    fps_idx = _fps(jnp.transpose(xyz_t, (1, 0, 2)), npoint)
    new_xyz = _index_points(xyz, fps_idx)
    new_xyz_t = jnp.transpose(new_xyz, (0, 2, 1))
    idx = _knn_topk(new_xyz_t, xyz_t, nsample)
    grouped_xyz = _index_points(xyz, idx)
    grouped_norm = grouped_xyz - new_xyz[:, :, None, :]
    grouped_pts = _index_points(points, idx)
    new_points = jnp.concatenate([grouped_norm, grouped_pts], axis=-1)
    new_points = _group_transformer(p['tb'], new_points)
    new_points = jnp.transpose(new_points, (0, 3, 2, 1))
    for c in p['convs']:
        y = jnp.einsum('bcns,oc->bons', new_points, c['w']) \
            + c['b'][None, :, None, None]
        mu = jnp.mean(y, axis=(0, 2, 3), keepdims=True)
        var = jnp.var(y, axis=(0, 2, 3), keepdims=True)
        y = (y - mu) / jnp.sqrt(var + 1e-5)
        y = y * c['bn_g'][None, :, None, None] + c['bn_b'][None, :, None, None]
        new_points = jax.nn.relu(y)
    new_points = jnp.swapaxes(jnp.max(new_points, axis=2), 1, 2)
    return new_xyz, new_xyz_t, new_points


def kernel(x, params):
    xyz = x[..., :3]
    xyz_t = jnp.transpose(xyz, (0, 2, 1))
    knn_idx = _knn_topk(xyz_t, xyz_t, KNN)
    knn_xyz_n = _index_points(x, knn_idx)
    xyz_pos = xyz[:, :, None] - knn_xyz_n[..., :3]
    t = jnp.concatenate((xyz_pos, knn_xyz_n), axis=3)
    t2 = jax.nn.relu(t @ params['fc_delta_w'] + params['fc_delta_b'])
    xf = jnp.max(t2, axis=2)
    xf = jax.nn.relu(xf @ params['linear1_w'] + params['linear1_b'])
    points = jax.nn.relu(_group_transformer(params['t1'], xf) + xf)
    for i in range(NBLOCKS):
        xyz, xyz_t, points = _sa_forward(
            params['sa'][i], NPOINT // 4 ** (i + 1), KNN, xyz_t, xyz, points)
    return points

# --- scband reference (transcript-rebuilt; emitter-appended) ---
"""Pipeline reference for scband-backbone-26121991094961 (READ-ONLY COPY).

The authoritative reference and input builder live on the scoring server;
editing this copy changes nothing except your own understanding.
"""

import jax, jax.numpy as jnp
import numpy as np

D_MODEL = 256
K = 16
NBLOCKS = 2
NPOINT = 2048

def _tb_params(key, d_points, d_model=D_MODEL):
    ks = jax.random.split(key, 5)
    def s(k, sh):
        return jax.random.normal(k, sh, jnp.float32) * (1.0 / np.sqrt(sh[0]))
    return {'fc1_w': s(ks[0], (d_points, d_model)), 'fc1_b': jnp.zeros((d_model,), jnp.float32),
            'fc2_w': s(ks[1], (d_model, d_points)), 'fc2_b': jnp.zeros((d_points,), jnp.float32),
            'wq': s(ks[2], (d_model, d_model)), 'wk': s(ks[3], (d_model, d_model)), 'wv': s(ks[4], (d_model, d_model))}

def _sa_params(key, in_ch, mlp):
    ks = jax.random.split(key, len(mlp) + 1)
    convs = []
    last = in_ch
    for i, oc in enumerate(mlp):
        w = jax.random.normal(ks[i], (oc, last), jnp.float32) * (1.0 / np.sqrt(last))
        convs.append({'w': w, 'b': jnp.zeros((oc,), jnp.float32), 'bn_g': jnp.ones((oc,), jnp.float32), 'bn_b': jnp.zeros((oc,), jnp.float32)})
        last = oc
    return {'convs': convs, 'tb': _tb_params(ks[-1], in_ch)}

def build_params(key):
    ks = jax.random.split(key, 10)
    p = {'t0': _tb_params(ks[0], 9), 't1': _tb_params(ks[1], 32),
         'fc_delta_w': jax.random.normal(ks[2], (9, 32), jnp.float32) * (1.0 / 3.0),
         'fc_delta_b': jnp.zeros((32,), jnp.float32),
         'linear1_w': jax.random.normal(ks[3], (32, 32), jnp.float32) * (1.0 / np.sqrt(32.0)),
         'linear1_b': jnp.zeros((32,), jnp.float32),
         'sa': [], 'trs': []}
    for i in range(NBLOCKS):
        ch = 32 * 2 ** (i + 1)
        p['sa'].append(_sa_params(ks[4 + i], ch // 2 + 3, [ch, ch]))
        p['trs'].append(_tb_params(ks[6 + i], ch))
    return p

def transformer_block(p, feat):
    x = feat @ p['fc1_w'] + p['fc1_b']
    q, k, v = x @ p['wq'], x @ p['wk'], x @ p['wv']
    attn = jnp.matmul(q, jnp.swapaxes(k, -1, -2))
    attn = jax.nn.softmax(attn / np.sqrt(k.shape[-1]), axis=-1)
    res = jnp.matmul(attn, v)
    return jax.nn.relu(res @ p['fc2_w'] + p['fc2_b'])

def square_distance(src, dst):
    return jnp.sum(src ** 2, -1)[..., :, None] + jnp.sum(dst ** 2, -1)[..., None, :] - 2.0 * jnp.matmul(src, jnp.swapaxes(dst, -1, -2))

def index_points(points, idx):
    return jax.vmap(lambda p, i: p[i])(points, idx)

def farthest_point_sample(xyz, npoint):
    xyz = jax.lax.stop_gradient(xyz)
    B, N, _ = xyz.shape
    def body(i, state):
        cent, dist, far = state
        cent = cent.at[:, i].set(far)
        c = xyz[jnp.arange(B), far][:, None, :]
        d = jnp.sum((xyz - c) ** 2, -1)
        dist = jnp.minimum(dist, d)
        far2 = jnp.argmax(dist, -1).astype(jnp.int32)
        return (cent, dist, far2)
    cent = jnp.zeros((B, npoint), jnp.int32)
    dist = jnp.full((B, N), 1e10, jnp.float32)
    far = jnp.zeros((B,), jnp.int32)
    cent, _, _ = jax.lax.fori_loop(0, npoint, body, (cent, dist, far))
    return cent

def sample_and_group_knn(npoint, nsample, xyz, points):
    fps_idx = farthest_point_sample(xyz, npoint)
    new_xyz = index_points(xyz, fps_idx)
    dists = square_distance(new_xyz, xyz)
    idx = jnp.argsort(dists, axis=-1)[:, :, :nsample]
    grouped_xyz = index_points(xyz, idx)
    grouped_norm = grouped_xyz - new_xyz[:, :, None, :]
    grouped_pts = index_points(points, idx)
    new_points = jnp.concatenate([grouped_norm, grouped_pts], axis=-1)
    return new_xyz, new_points

def sa_forward(p, npoint, nsample, xyz, points):
    new_xyz, new_points = sample_and_group_knn(npoint, nsample, xyz, points)
    new_points = transformer_block(p['tb'], new_points)
    new_points = jnp.transpose(new_points, (0, 3, 2, 1))
    for c in p['convs']:
        y = jnp.einsum('bcns,oc->bons', new_points, c['w']) + c['b'][None, :, None, None]
        mu = jnp.mean(y, axis=(0, 2, 3), keepdims=True)
        var = jnp.var(y, axis=(0, 2, 3), keepdims=True)
        y = (y - mu) / jnp.sqrt(var + 1e-5)
        y = y * c['bn_g'][None, :, None, None] + c['bn_b'][None, :, None, None]
        new_points = jax.nn.relu(y)
    new_points = jnp.swapaxes(jnp.max(new_points, axis=2), 1, 2)
    return new_xyz, new_points

def backbone_forward(params, x):
    xyz = x[..., :3]
    dists = square_distance(xyz, xyz)
    knn_idx = jnp.argsort(dists, axis=-1)[:, :, :K]
    knn_xyz_n = index_points(x, knn_idx)
    xyz_pos = xyz[:, :, None] - knn_xyz_n[..., :3]
    t = jnp.concatenate((xyz_pos, knn_xyz_n), axis=3)
    _unused0 = jax.nn.relu(transformer_block(params['t0'], t) + t)
    t2 = jax.nn.relu(t @ params['fc_delta_w'] + params['fc_delta_b'])
    xf = jnp.max(t2, axis=2)
    xf = jax.nn.relu(xf @ params['linear1_w'] + params['linear1_b'])
    points = jax.nn.relu(transformer_block(params['t1'], xf) + xf)
    for i in range(NBLOCKS):
        xyz, points = sa_forward(params['sa'][i], NPOINT // 4 ** (i + 1), K, xyz, points)
        _unusedi = jax.nn.relu(transformer_block(params['trs'][i], points) + points)
    return points

def setup_inputs(seed: int = 0):
    key = jax.random.key(seed)
    kx, kp = jax.random.split(key)
    x = jax.random.normal(kx, (4, NPOINT, 6), jnp.float32)
    params = build_params(kp)
    return {'x': x, 'params': params}

def reference(x, params):
    return backbone_forward(params, x)

if __name__ == "__main__":
    import jax
    _d = setup_inputs()
    print(jax.jit(kernel)(*tuple(_d.values())))

</pallas_src>

<mosaic_0001>
module attributes {stable_mosaic.version = 14 : i64} {
  func.func @_knn_body(%arg0: i32, %arg1: i32, %arg2: memref<1x3x256xf32, #tpu.memory_space<vmem>>, %arg3: memref<1x3x2048xf32, #tpu.memory_space<vmem>>, %arg4: memref<1x256x16xi32, #tpu.memory_space<vmem>>) attributes {dimension_semantics = [#tpu.dimension_semantics<arbitrary>, #tpu.dimension_semantics<arbitrary>], iteration_bounds = array<i64: 4, 8>, scalar_prefetch = 0 : i64, scratch_operands = 0 : i64, tpu.core_type = #tpu.core_type<tc>, window_params = [{transform_indices = @transform_0, window_bounds = array<i64: 1, 3, 256>}, {transform_indices = @transform_1, window_bounds = array<i64: 1, 3, 2048>}, {transform_indices = @transform_2, window_bounds = array<i64: 1, 256, 16>}]} {
    %get3A = arith.constant 0 : index
    %get3A_0 = arith.constant 0 : index
    %get3A_1 = arith.constant 0 : index
    %get3A_2 = vector.load %arg2[%get3A, %get3A_0, %get3A_1] : memref<1x3x256xf32, #tpu.memory_space<vmem>>, vector<1x3x256xf32>
    %get3A_3 = vector.shape_cast %get3A_2 : vector<1x3x256xf32> to vector<3x256xf32>
    %get3A_4 = arith.constant 0 : index
    %get3A_5 = arith.constant 0 : index
    %get3A_6 = arith.constant 0 : index
    %get3A_7 = vector.load %arg3[%get3A_4, %get3A_5, %get3A_6] : memref<1x3x2048xf32, #tpu.memory_space<vmem>>, vector<1x3x2048xf32>
    %get3A_8 = vector.shape_cast %get3A_7 : vector<1x3x2048xf32> to vector<3x2048xf32>
    %mul3A = arith.mulf %get3A_8, %get3A_8 : vector<3x2048xf32>
    %reduce_sum3A = arith.constant dense<0.000000e+00> : vector<2048xf32>
    %reduce_sum3A_9 = vector.multi_reduction <add>, %mul3A, %reduce_sum3A [0] : vector<3x2048xf32> to vector<2048xf32>
    %broadcast_in_dim3A = vector.shape_cast %reduce_sum3A_9 : vector<2048xf32> to vector<1x2048xf32>
    %dot_general3A = arith.constant dense<0.000000e+00> : vector<256x2048xf32>
    %dot_general3A_10 = tpu.matmul %get3A_3, %get3A_8, %dot_general3A {dimension_numbers = #tpu.dot_dimension_numbers<[0], [0], [1], [1], [0, 1, 1, 1], [], []>, transpose_lhs_hint = false} : vector<3x256xf32>, vector<3x2048xf32>, vector<256x2048xf32> -> vector<256x2048xf32>
    %mul3A_11 = arith.constant 2.000000e+00 : f32
    %mul3A_12 = vector.broadcast %mul3A_11 : f32 to vector<256x2048xf32>
    %mul3A_13 = arith.mulf %mul3A_12, %dot_general3A_10 : vector<256x2048xf32>
    %sub3A = vector.broadcast %broadcast_in_dim3A : vector<1x2048xf32> to vector<256x2048xf32>
    %sub3A_14 = arith.subf %sub3A, %mul3A_13 : vector<256x2048xf32>
    %iota3A = tpu.iota {dimensions = array<i32: 1>} : vector<256x2048xi32>
    %iota3A_15 = tpu.iota {dimensions = array<i32: 1>} : vector<256x16xi32>
    %mul3A_16 = arith.constant 0 : i32
    %mul3A_17 = vector.broadcast %mul3A_16 : i32 to vector<256x16xi32>
    %mul3A_18 = arith.muli %iota3A_15, %mul3A_17 : vector<256x16xi32>
    %reduce_min3A = arith.constant dense<0x7F800000> : vector<256xf32>
    %reduce_min3A_19 = vector.multi_reduction <minimumf>, %sub3A_14, %reduce_min3A [1] : vector<256x2048xf32> to vector<256xf32>
    %broadcast_in_dim3A_20 = vector.shape_cast %reduce_min3A_19 : vector<256xf32> to vector<256x1xf32>
    %le3A = vector.broadcast %broadcast_in_dim3A_20 : vector<256x1xf32> to vector<256x2048xf32>
    %le3A_21 = arith.cmpf ole, %sub3A_14, %le3A : vector<256x2048xf32>
    %jit3A = arith.constant 2048 : i32
    %broadcast_in_dim3A_22 = vector.broadcast %jit3A : i32 to vector<256x2048xi32>
    %select_n3A = arith.select %le3A_21, %iota3A, %broadcast_in_dim3A_22 : vector<256x2048xi1>, vector<256x2048xi32>
    %reduce_min3A_23 = arith.constant dense<2147483647> : vector<256xi32>
    %reduce_min3A_24 = vector.multi_reduction <minsi>, %select_n3A, %reduce_min3A_23 [1] : vector<256x2048xi32> to vector<256xi32>
    %broadcast_in_dim3A_25 = vector.shape_cast %reduce_min3A_24 : vector<256xi32> to vector<256x1xi32>
    %eq3A = arith.constant 0 : i32
    %eq3A_26 = vector.broadcast %eq3A : i32 to vector<256x16xi32>
    %eq3A_27 = arith.cmpi eq, %iota3A_15, %eq3A_26 : vector<256x16xi32>
    %convert_element_type3A = arith.extui %eq3A_27 : vector<256x16xi1> to vector<256x16xi32>
    %mul3A_28 = vector.broadcast %broadcast_in_dim3A_25 : vector<256x1xi32> to vector<256x16xi32>
    %mul3A_29 = arith.muli %convert_element_type3A, %mul3A_28 : vector<256x16xi32>
    %add3A = arith.addi %mul3A_18, %mul3A_29 : vector<256x16xi32>
    %eq3A_30 = vector.broadcast %broadcast_in_dim3A_25 : vector<256x1xi32> to vector<256x2048xi32>
    %eq3A_31 = arith.cmpi eq, %iota3A, %eq3A_30 : vector<256x2048xi32>
    %jit3A_32 = arith.constant 0x7F800000 : f32
    %broadcast_in_dim3A_33 = vector.broadcast %jit3A_32 : f32 to vector<256x2048xf32>
    %select_n3A_34 = arith.select %eq3A_31, %broadcast_in_dim3A_33, %sub3A_14 : vector<256x2048xi1>, vector<256x2048xf32>
    %reduce_min3A_35 = arith.constant dense<0x7F800000> : vector<256xf32>
    %reduce_min3A_36 = vector.multi_reduction <minimumf>, %select_n3A_34, %reduce_min3A_35 [1] : vector<256x2048xf32> to vector<256xf32>
    %broadcast_in_dim3A_37 = vector.shape_cast %reduce_min3A_36 : vector<256xf32> to vector<256x1xf32>
    %le3A_38 = vector.broadcast %broadcast_in_dim3A_37 : vector<256x1xf32> to vector<256x2048xf32>
    %le3A_39 = arith.cmpf ole, %select_n3A_34, %le3A_38 : vector<256x2048xf32>
    %jit3A_40 = arith.constant 2048 : i32
    %broadcast_in_dim3A_41 = vector.broadcast %jit3A_40 : i32 to vector<256x2048xi32>
    %select_n3A_42 = arith.select %le3A_39, %iota3A, %broadcast_in_dim3A_41 : vector<256x2048xi1>, vector<256x2048xi32>
    %reduce_min3A_43 = arith.constant dense<2147483647> : vector<256xi32>
    %reduce_min3A_44 = vector.multi_reduction <minsi>, %select_n3A_42, %reduce_min3A_43 [1] : vector<256x2048xi32> to vector<256xi32>
    %broadcast_in_dim3A_45 = vector.shape_cast %reduce_min3A_44 : vector<256xi32> to vector<256x1xi32>
    %eq3A_46 = arith.constant 1 : i32
    %eq3A_47 = vector.broadcast %eq3A_46 : i32 to vector<256x16xi32>
    %eq3A_48 = arith.cmpi eq, %iota3A_15, %eq3A_47 : vector<256x16xi32>
    %convert_element_type3A_49 = arith.extui %eq3A_48 : vector<256x16xi1> to vector<256x16xi32>
    %mul3A_50 = vector.broadcast %broadcast_in_dim3A_45 : vector<256x1xi32> to vector<256x16xi32>
    %mul3A_51 = arith.muli %convert_element_type3A_49, %mul3A_50 : vector<256x16xi32>
    %add3A_52 = arith.addi %add3A, %mul3A_51 : vector<256x16xi32>
    %eq3A_53 = vector.broadcast %broadcast_in_dim3A_45 : vector<256x1xi32> to vector<256x2048xi32>
    %eq3A_54 = arith.cmpi eq, %iota3A, %eq3A_53 : vector<256x2048xi32>
    %jit3A_55 = arith.constant 0x7F800000 : f32
    %broadcast_in_dim3A_56 = vector.broadcast %jit3A_55 : f32 to vector<256x2048xf32>
    %select_n3A_57 = arith.select %eq3A_54, %broadcast_in_dim3A_56, %select_n3A_34 : vector<256x2048xi1>, vector<256x2048xf32>
    %reduce_min3A_58 = arith.constant dense<0x7F800000> : vector<256xf32>
    %reduce_min3A_59 = vector.multi_reduction <minimumf>, %select_n3A_57, %reduce_min3A_58 [1] : vector<256x2048xf32> to vector<256xf32>
    %broadcast_in_dim3A_60 = vector.shape_cast %reduce_min3A_59 : vector<256xf32> to vector<256x1xf32>
    %le3A_61 = vector.broadcast %broadcast_in_dim3A_60 : vector<256x1xf32> to vector<256x2048xf32>
    %le3A_62 = arith.cmpf ole, %select_n3A_57, %le3A_61 : vector<256x2048xf32>
    %jit3A_63 = arith.constant 2048 : i32
    %broadcast_in_dim3A_64 = vector.broadcast %jit3A_63 : i32 to vector<256x2048xi32>
    %select_n3A_65 = arith.select %le3A_62, %iota3A, %broadcast_in_dim3A_64 : vector<256x2048xi1>, vector<256x2048xi32>
    %reduce_min3A_66 = arith.constant dense<2147483647> : vector<256xi32>
    %reduce_min3A_67 = vector.multi_reduction <minsi>, %select_n3A_65, %reduce_min3A_66 [1] : vector<256x2048xi32> to vector<256xi32>
    %broadcast_in_dim3A_68 = vector.shape_cast %reduce_min3A_67 : vector<256xi32> to vector<256x1xi32>
    %eq3A_69 = arith.constant 2 : i32
    %eq3A_70 = vector.broadcast %eq3A_69 : i32 to vector<256x16xi32>
    %eq3A_71 = arith.cmpi eq, %iota3A_15, %eq3A_70 : vector<256x16xi32>
    %convert_element_type3A_72 = arith.extui %eq3A_71 : vector<256x16xi1> to vector<256x16xi32>
    %mul3A_73 = vector.broadcast %broadcast_in_dim3A_68 : vector<256x1xi32> to vector<256x16xi32>
    %mul3A_74 = arith.muli %convert_element_type3A_72, %mul3A_73 : vector<256x16xi32>
    %add3A_75 = arith.addi %add3A_52, %mul3A_74 : vector<256x16xi32>
    %eq3A_76 = vector.broadcast %broadcast_in_dim3A_68 : vector<256x1xi32> to vector<256x2048xi32>
    %eq3A_77 = arith.cmpi eq, %iota3A, %eq3A_76 : vector<256x2048xi32>
    %jit3A_78 = arith.constant 0x7F800000 : f32
    %broadcast_in_dim3A_79 = vector.broadcast %jit3A_78 : f32 to vector<256x2048xf32>
    %select_n3A_80 = arith.select %eq3A_77, %broadcast_in_dim3A_79, %select_n3A_57 : vector<256x2048xi1>, vector<256x2048xf32>
    %reduce_min3A_81 = arith.constant dense<0x7F800000> : vector<256xf32>
    %reduce_min3A_82 = vector.multi_reduction <minimumf>, %select_n3A_80, %reduce_min3A_81 [1] : vector<256x2048xf32> to vector<256xf32>
    %broadcast_in_dim3A_83 = vector.shape_cast %reduce_min3A_82 : vector<256xf32> to vector<256x1xf32>
    %le3A_84 = vector.broadcast %broadcast_in_dim3A_83 : vector<256x1xf32> to vector<256x2048xf32>
    %le3A_85 = arith.cmpf ole, %select_n3A_80, %le3A_84 : vector<256x2048xf32>
    %jit3A_86 = arith.constant 2048 : i32
    %broadcast_in_dim3A_87 = vector.broadcast %jit3A_86 : i32 to vector<256x2048xi32>
    %select_n3A_88 = arith.select %le3A_85, %iota3A, %broadcast_in_dim3A_87 : vector<256x2048xi1>, vector<256x2048xi32>
    %reduce_min3A_89 = arith.constant dense<2147483647> : vector<256xi32>
    %reduce_min3A_90 = vector.multi_reduction <minsi>, %select_n3A_88, %reduce_min3A_89 [1] : vector<256x2048xi32> to vector<256xi32>
    %broadcast_in_dim3A_91 = vector.shape_cast %reduce_min3A_90 : vector<256xi32> to vector<256x1xi32>
    %eq3A_92 = arith.constant 3 : i32
    %eq3A_93 = vector.broadcast %eq3A_92 : i32 to vector<256x16xi32>
    %eq3A_94 = arith.cmpi eq, %iota3A_15, %eq3A_93 : vector<256x16xi32>
    %convert_element_type3A_95 = arith.extui %eq3A_94 : vector<256x16xi1> to vector<256x16xi32>
    %mul3A_96 = vector.broadcast %broadcast_in_dim3A_91 : vector<256x1xi32> to vector<256x16xi32>
    %mul3A_97 = arith.muli %convert_element_type3A_95, %mul3A_96 : vector<256x16xi32>
    %add3A_98 = arith.addi %add3A_75, %mul3A_97 : vector<256x16xi32>
    %eq3A_99 = vector.broadcast %broadcast_in_dim3A_91 : vector<256x1xi32> to vector<256x2048xi32>
    %eq3A_100 = arith.cmpi eq, %iota3A, %eq3A_99 : vector<256x2048xi32>
    %jit3A_101 = arith.constant 0x7F800000 : f32
    %broadcast_in_dim3A_102 = vector.broadcast %jit3A_101 : f32 to vector<256x2048xf32>
    %select_n3A_103 = arith.select %eq3A_100, %broadcast_in_dim3A_102, %select_n3A_80 : vector<256x2048xi1>, vector<256x2048xf32>
    %reduce_min3A_104 = arith.constant dense<0x7F800000> : vector<256xf32>
    %reduce_min3A_105 = vector.multi_reduction <minimumf>, %select_n3A_103, %reduce_min3A_104 [1] : vector<256x2048xf32> to vector<256xf32>
    %broadcast_in_dim3A_106 = vector.shape_cast %reduce_min3A_105 : vector<256xf32> to vector<256x1xf32>
    %le3A_107 = vector.broadcast %broadcast_in_dim3A_106 : vector<256x1xf32> to vector<256x2048xf32>
    %le3A_108 = arith.cmpf ole, %select_n3A_103, %le3A_107 : vector<256x2048xf32>
    %jit3A_109 = arith.constant 2048 : i32
    %broadcast_in_dim3A_110 = vector.broadcast %jit3A_109 : i32 to vector<256x2048xi32>
    %select_n3A_111 = arith.select %le3A_108, %iota3A, %broadcast_in_dim3A_110 : vector<256x2048xi1>, vector<256x2048xi32>
    %reduce_min3A_112 = arith.constant dense<2147483647> : vector<256xi32>
    %reduce_min3A_113 = vector.multi_reduction <minsi>, %select_n3A_111, %reduce_min3A_112 [1] : vector<256x2048xi32> to vector<256xi32>
    %broadcast_in_dim3A_114 = vector.shape_cast %reduce_min3A_113 : vector<256xi32> to vector<256x1xi32>
    %eq3A_115 = arith.constant 4 : i32
    %eq3A_116 = vector.broadcast %eq3A_115 : i32 to vector<256x16xi32>
    %eq3A_117 = arith.cmpi eq, %iota3A_15, %eq3A_116 : vector<256x16xi32>
    %convert_element_type3A_118 = arith.extui %eq3A_117 : vector<256x16xi1> to vector<256x16xi32>
    %mul3A_119 = vector.broadcast %broadcast_in_dim3A_114 : vector<256x1xi32> to vector<256x16xi32>
    %mul3A_120 = arith.muli %convert_element_type3A_118, %mul3A_119 : vector<256x16xi32>
    %add3A_121 = arith.addi %add3A_98, %mul3A_120 : vector<256x16xi32>
    %eq3A_122 = vector.broadcast %broadcast_in_dim3A_114 : vector<256x1xi32> to vector<256x2048xi32>
    %eq3A_123 = arith.cmpi eq, %iota3A, %eq3A_122 : vector<256x2048xi32>
    %jit3A_124 = arith.constant 0x7F800000 : f32
    %broadcast_in_dim3A_125 = vector.broadcast %jit3A_124 : f32 to vector<256x2048xf32>
    %select_n3A_126 = arith.select %eq3A_123, %broadcast_in_dim3A_125, %select_n3A_103 : vector<256x2048xi1>, vector<256x2048xf32>
    %reduce_min3A_127 = arith.constant dense<0x7F800000> : vector<256xf32>
    %reduce_min3A_128 = vector.multi_reduction <minimumf>, %select_n3A_126, %reduce_min3A_127 [1] : vector<256x2048xf32> to vector<256xf32>
    %broadcast_in_dim3A_129 = vector.shape_cast %reduce_min3A_128 : vector<256xf32> to vector<256x1xf32>
    %le3A_130 = vector.broadcast %broadcast_in_dim3A_129 : vector<256x1xf32> to vector<256x2048xf32>
    %le3A_131 = arith.cmpf ole, %select_n3A_126, %le3A_130 : vector<256x2048xf32>
    %jit3A_132 = arith.constant 2048 : i32
    %broadcast_in_dim3A_133 = vector.broadcast %jit3A_132 : i32 to vector<256x2048xi32>
    %select_n3A_134 = arith.select %le3A_131, %iota3A, %broadcast_in_dim3A_133 : vector<256x2048xi1>, vector<256x2048xi32>
    %reduce_min3A_135 = arith.constant dense<2147483647> : vector<256xi32>
    %reduce_min3A_136 = vector.multi_reduction <minsi>, %select_n3A_134, %reduce_min3A_135 [1] : vector<256x2048xi32> to vector<256xi32>
    %broadcast_in_dim3A_137 = vector.shape_cast %reduce_min3A_136 : vector<256xi32> to vector<256x1xi32>
    %eq3A_138 = arith.constant 5 : i32
    %eq3A_139 = vector.broadcast %eq3A_138 : i32 to vector<256x16xi32>
    %eq3A_140 = arith.cmpi eq, %iota3A_15, %eq3A_139 : vector<256x16xi32>
    %convert_element_type3A_141 = arith.extui %eq3A_140 : vector<256x16xi1> to vector<256x16xi32>
    %mul3A_142 = vector.broadcast %broadcast_in_dim3A_137 : vector<256x1xi32> to vector<256x16xi32>
    %mul3A_143 = arith.muli %convert_element_type3A_141, %mul3A_142 : vector<256x16xi32>
    %add3A_144 = arith.addi %add3A_121, %mul3A_143 : vector<256x16xi32>
    %eq3A_145 = vector.broadcast %broadcast_in_dim3A_137 : vector<256x1xi32> to vector<256x2048xi32>
    %eq3A_146 = arith.cmpi eq, %iota3A, %eq3A_145 : vector<256x2048xi32>
    %jit3A_147 = arith.constant 0x7F800000 : f32
    %broadcast_in_dim3A_148 = vector.broadcast %jit3A_147 : f32 to vector<256x2048xf32>
    %select_n3A_149 = arith.select %eq3A_146, %broadcast_in_dim3A_148, %select_n3A_126 : vector<256x2048xi1>, vector<256x2048xf32>
    %reduce_min3A_150 = arith.constant dense<0x7F800000> : vector<256xf32>
    %reduce_min3A_151 = vector.multi_reduction <minimumf>, %select_n3A_149, %reduce_min3A_150 [1] : vector<256x2048xf32> to vector<256xf32>
    %broadcast_in_dim3A_152 = vector.shape_cast %reduce_min3A_151 : vector<256xf32> to vector<256x1xf32>
    %le3A_153 = vector.broadcast %broadcast_in_dim3A_152 : vector<256x1xf32> to vector<256x2048xf32>
    %le3A_154 = arith.cmpf ole, %select_n3A_149, %le3A_153 : vector<256x2048xf32>
    %jit3A_155 = arith.constant 2048 : i32
    %broadcast_in_dim3A_156 = vector.broadcast %jit3A_155 : i32 to vector<256x2048xi32>
    %select_n3A_157 = arith.select %le3A_154, %iota3A, %broadcast_in_dim3A_156 : vector<256x2048xi1>, vector<256x2048xi32>
    %reduce_min3A_158 = arith.constant dense<2147483647> : vector<256xi32>
    %reduce_min3A_159 = vector.multi_reduction <minsi>, %select_n3A_157, %reduce_min3A_158 [1] : vector<256x2048xi32> to vector<256xi32>
    %broadcast_in_dim3A_160 = vector.shape_cast %reduce_min3A_159 : vector<256xi32> to vector<256x1xi32>
    %eq3A_161 = arith.constant 6 : i32
    %eq3A_162 = vector.broadcast %eq3A_161 : i32 to vector<256x16xi32>
    %eq3A_163 = arith.cmpi eq, %iota3A_15, %eq3A_162 : vector<256x16xi32>
    %convert_element_type3A_164 = arith.extui %eq3A_163 : vector<256x16xi1> to vector<256x16xi32>
    %mul3A_165 = vector.broadcast %broadcast_in_dim3A_160 : vector<256x1xi32> to vector<256x16xi32>
    %mul3A_166 = arith.muli %convert_element_type3A_164, %mul3A_165 : vector<256x16xi32>
    %add3A_167 = arith.addi %add3A_144, %mul3A_166 : vector<256x16xi32>
    %eq3A_168 = vector.broadcast %broadcast_in_dim3A_160 : vector<256x1xi32> to vector<256x2048xi32>
    %eq3A_169 = arith.cmpi eq, %iota3A, %eq3A_168 : vector<256x2048xi32>
    %jit3A_170 = arith.constant 0x7F800000 : f32
    %broadcast_in_dim3A_171 = vector.broadcast %jit3A_170 : f32 to vector<256x2048xf32>
    %select_n3A_172 = arith.select %eq3A_169, %broadcast_in_dim3A_171, %select_n3A_149 : vector<256x2048xi1>, vector<256x2048xf32>
    %reduce_min3A_173 = arith.constant dense<0x7F800000> : vector<256xf32>
    %reduce_min3A_174 = vector.multi_reduction <minimumf>, %select_n3A_172, %reduce_min3A_173 [1] : vector<256x2048xf32> to vector<256xf32>
    %broadcast_in_dim3A_175 = vector.shape_cast %reduce_min3A_174 : vector<256xf32> to vector<256x1xf32>
    %le3A_176 = vector.broadcast %broadcast_in_dim3A_175 : vector<256x1xf32> to vector<256x2048xf32>
    %le3A_177 = arith.cmpf ole, %select_n3A_172, %le3A_176 : vector<256x2048xf32>
    %jit3A_178 = arith.constant 2048 : i32
    %broadcast_in_dim3A_179 = vector.broadcast %jit3A_178 : i32 to vector<256x2048xi32>
    %select_n3A_180 = arith.select %le3A_177, %iota3A, %broadcast_in_dim3A_179 : vector<256x2048xi1>, vector<256x2048xi32>
    %reduce_min3A_181 = arith.constant dense<2147483647> : vector<256xi32>
    %reduce_min3A_182 = vector.multi_reduction <minsi>, %select_n3A_180, %reduce_min3A_181 [1] : vector<256x2048xi32> to vector<256xi32>
    %broadcast_in_dim3A_183 = vector.shape_cast %reduce_min3A_182 : vector<256xi32> to vector<256x1xi32>
    %eq3A_184 = arith.constant 7 : i32
    %eq3A_185 = vector.broadcast %eq3A_184 : i32 to vector<256x16xi32>
    %eq3A_186 = arith.cmpi eq, %iota3A_15, %eq3A_185 : vector<256x16xi32>
    %convert_element_type3A_187 = arith.extui %eq3A_186 : vector<256x16xi1> to vector<256x16xi32>
    %mul3A_188 = vector.broadcast %broadcast_in_dim3A_183 : vector<256x1xi32> to vector<256x16xi32>
    %mul3A_189 = arith.muli %convert_element_type3A_187, %mul3A_188 : vector<256x16xi32>
    %add3A_190 = arith.addi %add3A_167, %mul3A_189 : vector<256x16xi32>
    %eq3A_191 = vector.broadcast %broadcast_in_dim3A_183 : vector<256x1xi32> to vector<256x2048xi32>
    %eq3A_192 = arith.cmpi eq, %iota3A, %eq3A_191 : vector<256x2048xi32>
    %jit3A_193 = arith.constant 0x7F800000 : f32
    %broadcast_in_dim3A_194 = vector.broadcast %jit3A_193 : f32 to vector<256x2048xf32>
    %select_n3A_195 = arith.select %eq3A_192, %broadcast_in_dim3A_194, %select_n3A_172 : vector<256x2048xi1>, vector<256x2048xf32>
    %reduce_min3A_196 = arith.constant dense<0x7F800000> : vector<256xf32>
    %reduce_min3A_197 = vector.multi_reduction <minimumf>, %select_n3A_195, %reduce_min3A_196 [1] : vector<256x2048xf32> to vector<256xf32>
    %broadcast_in_dim3A_198 = vector.shape_cast %reduce_min3A_197 : vector<256xf32> to vector<256x1xf32>
    %le3A_199 = vector.broadcast %broadcast_in_dim3A_198 : vector<256x1xf32> to vector<256x2048xf32>
    %le3A_200 = arith.cmpf ole, %select_n3A_195, %le3A_199 : vector<256x2048xf32>
    %jit3A_201 = arith.constant 2048 : i32
    %broadcast_in_dim3A_202 = vector.broadcast %jit3A_201 : i32 to vector<256x2048xi32>
    %select_n3A_203 = arith.select %le3A_200, %iota3A, %broadcast_in_dim3A_202 : vector<256x2048xi1>, vector<256x2048xi32>
    %reduce_min3A_204 = arith.constant dense<2147483647> : vector<256xi32>
    %reduce_min3A_205 = vector.multi_reduction <minsi>, %select_n3A_203, %reduce_min3A_204 [1] : vector<256x2048xi32> to vector<256xi32>
    %broadcast_in_dim3A_206 = vector.shape_cast %reduce_min3A_205 : vector<256xi32> to vector<256x1xi32>
    %eq3A_207 = arith.constant 8 : i32
    %eq3A_208 = vector.broadcast %eq3A_207 : i32 to vector<256x16xi32>
    %eq3A_209 = arith.cmpi eq, %iota3A_15, %eq3A_208 : vector<256x16xi32>
    %convert_element_type3A_210 = arith.extui %eq3A_209 : vector<256x16xi1> to vector<256x16xi32>
    %mul3A_211 = vector.broadcast %broadcast_in_dim3A_206 : vector<256x1xi32> to vector<256x16xi32>
    %mul3A_212 = arith.muli %convert_element_type3A_210, %mul3A_211 : vector<256x16xi32>
    %add3A_213 = arith.addi %add3A_190, %mul3A_212 : vector<256x16xi32>
    %eq3A_214 = vector.broadcast %broadcast_in_dim3A_206 : vector<256x1xi32> to vector<256x2048xi32>
    %eq3A_215 = arith.cmpi eq, %iota3A, %eq3A_214 : vector<256x2048xi32>
    %jit3A_216 = arith.constant 0x7F800000 : f32
    %broadcast_in_dim3A_217 = vector.broadcast %jit3A_216 : f32 to vector<256x2048xf32>
    %select_n3A_218 = arith.select %eq3A_215, %broadcast_in_dim3A_217, %select_n3A_195 : vector<256x2048xi1>, vector<256x2048xf32>
    %reduce_min3A_219 = arith.constant dense<0x7F800000> : vector<256xf32>
    %reduce_min3A_220 = vector.multi_reduction <minimumf>, %select_n3A_218, %reduce_min3A_219 [1] : vector<256x2048xf32> to vector<256xf32>
    %broadcast_in_dim3A_221 = vector.shape_cast %reduce_min3A_220 : vector<256xf32> to vector<256x1xf32>
    %le3A_222 = vector.broadcast %broadcast_in_dim3A_221 : vector<256x1xf32> to vector<256x2048xf32>
    %le3A_223 = arith.cmpf ole, %select_n3A_218, %le3A_222 : vector<256x2048xf32>
    %jit3A_224 = arith.constant 2048 : i32
    %broadcast_in_dim3A_225 = vector.broadcast %jit3A_224 : i32 to vector<256x2048xi32>
    %select_n3A_226 = arith.select %le3A_223, %iota3A, %broadcast_in_dim3A_225 : vector<256x2048xi1>, vector<256x2048xi32>
    %reduce_min3A_227 = arith.constant dense<2147483647> : vector<256xi32>
    %reduce_min3A_228 = vector.multi_reduction <minsi>, %select_n3A_226, %reduce_min3A_227 [1] : vector<256x2048xi32> to vector<256xi32>
    %broadcast_in_dim3A_229 = vector.shape_cast %reduce_min3A_228 : vector<256xi32> to vector<256x1xi32>
    %eq3A_230 = arith.constant 9 : i32
    %eq3A_231 = vector.broadcast %eq3A_230 : i32 to vector<256x16xi32>
    %eq3A_232 = arith.cmpi eq, %iota3A_15, %eq3A_231 : vector<256x16xi32>
    %convert_element_type3A_233 = arith.extui %eq3A_232 : vector<256x16xi1> to vector<256x16xi32>
    %mul3A_234 = vector.broadcast %broadcast_in_dim3A_229 : vector<256x1xi32> to vector<256x16xi32>
    %mul3A_235 = arith.muli %convert_element_type3A_233, %mul3A_234 : vector<256x16xi32>
    %add3A_236 = arith.addi %add3A_213, %mul3A_235 : vector<256x16xi32>
    %eq3A_237 = vector.broadcast %broadcast_in_dim3A_229 : vector<256x1xi32> to vector<256x2048xi32>
    %eq3A_238 = arith.cmpi eq, %iota3A, %eq3A_237 : vector<256x2048xi32>
    %jit3A_239 = arith.constant 0x7F800000 : f32
    %broadcast_in_dim3A_240 = vector.broadcast %jit3A_239 : f32 to vector<256x2048xf32>
    %select_n3A_241 = arith.select %eq3A_238, %broadcast_in_dim3A_240, %select_n3A_218 : vector<256x2048xi1>, vector<256x2048xf32>
    %reduce_min3A_242 = arith.constant dense<0x7F800000> : vector<256xf32>
    %reduce_min3A_243 = vector.multi_reduction <minimumf>, %select_n3A_241, %reduce_min3A_242 [1] : vector<256x2048xf32> to vector<256xf32>
    %broadcast_in_dim3A_244 = vector.shape_cast %reduce_min3A_243 : vector<256xf32> to vector<256x1xf32>
    %le3A_245 = vector.broadcast %broadcast_in_dim3A_244 : vector<256x1xf32> to vector<256x2048xf32>
    %le3A_246 = arith.cmpf ole, %select_n3A_241, %le3A_245 : vector<256x2048xf32>
    %jit3A_247 = arith.constant 2048 : i32
    %broadcast_in_dim3A_248 = vector.broadcast %jit3A_247 : i32 to vector<256x2048xi32>
    %select_n3A_249 = arith.select %le3A_246, %iota3A, %broadcast_in_dim3A_248 : vector<256x2048xi1>, vector<256x2048xi32>
    %reduce_min3A_250 = arith.constant dense<2147483647> : vector<256xi32>
    %reduce_min3A_251 = vector.multi_reduction <minsi>, %select_n3A_249, %reduce_min3A_250 [1] : vector<256x2048xi32> to vector<256xi32>
    %broadcast_in_dim3A_252 = vector.shape_cast %reduce_min3A_251 : vector<256xi32> to vector<256x1xi32>
    %eq3A_253 = arith.constant 10 : i32
    %eq3A_254 = vector.broadcast %eq3A_253 : i32 to vector<256x16xi32>
    %eq3A_255 = arith.cmpi eq, %iota3A_15, %eq3A_254 : vector<256x16xi32>
    %convert_element_type3A_256 = arith.extui %eq3A_255 : vector<256x16xi1> to vector<256x16xi32>
    %mul3A_257 = vector.broadcast %broadcast_in_dim3A_252 : vector<256x1xi32> to vector<256x16xi32>
    %mul3A_258 = arith.muli %convert_element_type3A_256, %mul3A_257 : vector<256x16xi32>
    %add3A_259 = arith.addi %add3A_236, %mul3A_258 : vector<256x16xi32>
    %eq3A_260 = vector.broadcast %broadcast_in_dim3A_252 : vector<256x1xi32> to vector<256x2048xi32>
    %eq3A_261 = arith.cmpi eq, %iota3A, %eq3A_260 : vector<256x2048xi32>
    %jit3A_262 = arith.constant 0x7F800000 : f32
    %broadcast_in_dim3A_263 = vector.broadcast %jit3A_262 : f32 to vector<256x2048xf32>
    %select_n3A_264 = arith.select %eq3A_261, %broadcast_in_dim3A_263, %select_n3A_241 : vector<256x2048xi1>, vector<256x2048xf32>
    %reduce_min3A_265 = arith.constant dense<0x7F800000> : vector<256xf32>
    %reduce_min3A_266 = vector.multi_reduction <minimumf>, %select_n3A_264, %reduce_min3A_265 [1] : vector<256x2048xf32> to vector<256xf32>
    %broadcast_in_dim3A_267 = vector.shape_cast %reduce_min3A_266 : vector<256xf32> to vector<256x1xf32>
    %le3A_268 = vector.broadcast %broadcast_in_dim3A_267 : vector<256x1xf32> to vector<256x2048xf32>
    %le3A_269 = arith.cmpf ole, %select_n3A_264, %le3A_268 : vector<256x2048xf32>
    %jit3A_270 = arith.constant 2048 : i32
    %broadcast_in_dim3A_271 = vector.broadcast %jit3A_270 : i32 to vector<256x2048xi32>
    %select_n3A_272 = arith.select %le3A_269, %iota3A, %broadcast_in_dim3A_271 : vector<256x2048xi1>, vector<256x2048xi32>
    %reduce_min3A_273 = arith.constant dense<2147483647> : vector<256xi32>
    %reduce_min3A_274 = vector.multi_reduction <minsi>, %select_n3A_272, %reduce_min3A_273 [1] : vector<256x2048xi32> to vector<256xi32>
    %broadcast_in_dim3A_275 = vector.shape_cast %reduce_min3A_274 : vector<256xi32> to vector<256x1xi32>
    %eq3A_276 = arith.constant 11 : i32
    %eq3A_277 = vector.broadcast %eq3A_276 : i32 to vector<256x16xi32>
    %eq3A_278 = arith.cmpi eq, %iota3A_15, %eq3A_277 : vector<256x16xi32>
    %convert_element_type3A_279 = arith.extui %eq3A_278 : vector<256x16xi1> to vector<256x16xi32>
    %mul3A_280 = vector.broadcast %broadcast_in_dim3A_275 : vector<256x1xi32> to vector<256x16xi32>
    %mul3A_281 = arith.muli %convert_element_type3A_279, %mul3A_280 : vector<256x16xi32>
    %add3A_282 = arith.addi %add3A_259, %mul3A_281 : vector<256x16xi32>
    %eq3A_283 = vector.broadcast %broadcast_in_dim3A_275 : vector<256x1xi32> to vector<256x2048xi32>
    %eq3A_284 = arith.cmpi eq, %iota3A, %eq3A_283 : vector<256x2048xi32>
    %jit3A_285 = arith.constant 0x7F800000 : f32
    %broadcast_in_dim3A_286 = vector.broadcast %jit3A_285 : f32 to vector<256x2048xf32>
    %select_n3A_287 = arith.select %eq3A_284, %broadcast_in_dim3A_286, %select_n3A_264 : vector<256x2048xi1>, vector<256x2048xf32>
    %reduce_min3A_288 = arith.constant dense<0x7F800000> : vector<256xf32>
    %reduce_min3A_289 = vector.multi_reduction <minimumf>, %select_n3A_287, %reduce_min3A_288 [1] : vector<256x2048xf32> to vector<256xf32>
    %broadcast_in_dim3A_290 = vector.shape_cast %reduce_min3A_289 : vector<256xf32> to vector<256x1xf32>
    %le3A_291 = vector.broadcast %broadcast_in_dim3A_290 : vector<256x1xf32> to vector<256x2048xf32>
    %le3A_292 = arith.cmpf ole, %select_n3A_287, %le3A_291 : vector<256x2048xf32>
    %jit3A_293 = arith.constant 2048 : i32
    %broadcast_in_dim3A_294 = vector.broadcast %jit3A_293 : i32 to vector<256x2048xi32>
    %select_n3A_295 = arith.select %le3A_292, %iota3A, %broadcast_in_dim3A_294 : vector<256x2048xi1>, vector<256x2048xi32>
    %reduce_min3A_296 = arith.constant dense<2147483647> : vector<256xi32>
    %reduce_min3A_297 = vector.multi_reduction <minsi>, %select_n3A_295, %reduce_min3A_296 [1] : vector<256x2048xi32> to vector<256xi32>
    %broadcast_in_dim3A_298 = vector.shape_cast %reduce_min3A_297 : vector<256xi32> to vector<256x1xi32>
    %eq3A_299 = arith.constant 12 : i32
    %eq3A_300 = vector.broadcast %eq3A_299 : i32 to vector<256x16xi32>
    %eq3A_301 = arith.cmpi eq, %iota3A_15, %eq3A_300 : vector<256x16xi32>
    %convert_element_type3A_302 = arith.extui %eq3A_301 : vector<256x16xi1> to vector<256x16xi32>
    %mul3A_303 = vector.broadcast %broadcast_in_dim3A_298 : vector<256x1xi32> to vector<256x16xi32>
    %mul3A_304 = arith.muli %convert_element_type3A_302, %mul3A_303 : vector<256x16xi32>
    %add3A_305 = arith.addi %add3A_282, %mul3A_304 : vector<256x16xi32>
    %eq3A_306 = vector.broadcast %broadcast_in_dim3A_298 : vector<256x1xi32> to vector<256x2048xi32>
    %eq3A_307 = arith.cmpi eq, %iota3A, %eq3A_306 : vector<256x2048xi32>
    %jit3A_308 = arith.constant 0x7F800000 : f32
    %broadcast_in_dim3A_309 = vector.broadcast %jit3A_308 : f32 to vector<256x2048xf32>
    %select_n3A_310 = arith.select %eq3A_307, %broadcast_in_dim3A_309, %select_n3A_287 : vector<256x2048xi1>, vector<256x2048xf32>
    %reduce_min3A_311 = arith.constant dense<0x7F800000> : vector<256xf32>
    %reduce_min3A_312 = vector.multi_reduction <minimumf>, %select_n3A_310, %reduce_min3A_311 [1] : vector<256x2048xf32> to vector<256xf32>
    %broadcast_in_dim3A_313 = vector.shape_cast %reduce_min3A_312 : vector<256xf32> to vector<256x1xf32>
    %le3A_314 = vector.broadcast %broadcast_in_dim3A_313 : vector<256x1xf32> to vector<256x2048xf32>
    %le3A_315 = arith.cmpf ole, %select_n3A_310, %le3A_314 : vector<256x2048xf32>
    %jit3A_316 = arith.constant 2048 : i32
    %broadcast_in_dim3A_317 = vector.broadcast %jit3A_316 : i32 to vector<256x2048xi32>
    %select_n3A_318 = arith.select %le3A_315, %iota3A, %broadcast_in_dim3A_317 : vector<256x2048xi1>, vector<256x2048xi32>
    %reduce_min3A_319 = arith.constant dense<2147483647> : vector<256xi32>
    %reduce_min3A_320 = vector.multi_reduction <minsi>, %select_n3A_318, %reduce_min3A_319 [1] : vector<256x2048xi32> to vector<256xi32>
    %broadcast_in_dim3A_321 = vector.shape_cast %reduce_min3A_320 : vector<256xi32> to vector<256x1xi32>
    %eq3A_322 = arith.constant 13 : i32
    %eq3A_323 = vector.broadcast %eq3A_322 : i32 to vector<256x16xi32>
    %eq3A_324 = arith.cmpi eq, %iota3A_15, %eq3A_323 : vector<256x16xi32>
    %convert_element_type3A_325 = arith.extui %eq3A_324 : vector<256x16xi1> to vector<256x16xi32>
    %mul3A_326 = vector.broadcast %broadcast_in_dim3A_321 : vector<256x1xi32> to vector<256x16xi32>
    %mul3A_327 = arith.muli %convert_element_type3A_325, %mul3A_326 : vector<256x16xi32>
    %add3A_328 = arith.addi %add3A_305, %mul3A_327 : vector<256x16xi32>
    %eq3A_329 = vector.broadcast %broadcast_in_dim3A_321 : vector<256x1xi32> to vector<256x2048xi32>
    %eq3A_330 = arith.cmpi eq, %iota3A, %eq3A_329 : vector<256x2048xi32>
    %jit3A_331 = arith.constant 0x7F800000 : f32
    %broadcast_in_dim3A_332 = vector.broadcast %jit3A_331 : f32 to vector<256x2048xf32>
    %select_n3A_333 = arith.select %eq3A_330, %broadcast_in_dim3A_332, %select_n3A_310 : vector<256x2048xi1>, vector<256x2048xf32>
    %reduce_min3A_334 = arith.constant dense<0x7F800000> : vector<256xf32>
    %reduce_min3A_335 = vector.multi_reduction <minimumf>, %select_n3A_333, %reduce_min3A_334 [1] : vector<256x2048xf32> to vector<256xf32>
    %broadcast_in_dim3A_336 = vector.shape_cast %reduce_min3A_335 : vector<256xf32> to vector<256x1xf32>
    %le3A_337 = vector.broadcast %broadcast_in_dim3A_336 : vector<256x1xf32> to vector<256x2048xf32>
    %le3A_338 = arith.cmpf ole, %select_n3A_333, %le3A_337 : vector<256x2048xf32>
    %jit3A_339 = arith.constant 2048 : i32
    %broadcast_in_dim3A_340 = vector.broadcast %jit3A_339 : i32 to vector<256x2048xi32>
    %select_n3A_341 = arith.select %le3A_338, %iota3A, %broadcast_in_dim3A_340 : vector<256x2048xi1>, vector<256x2048xi32>
    %reduce_min3A_342 = arith.constant dense<2147483647> : vector<256xi32>
    %reduce_min3A_343 = vector.multi_reduction <minsi>, %select_n3A_341, %reduce_min3A_342 [1] : vector<256x2048xi32> to vector<256xi32>
    %broadcast_in_dim3A_344 = vector.shape_cast %reduce_min3A_343 : vector<256xi32> to vector<256x1xi32>
    %eq3A_345 = arith.constant 14 : i32
    %eq3A_346 = vector.broadcast %eq3A_345 : i32 to vector<256x16xi32>
    %eq3A_347 = arith.cmpi eq, %iota3A_15, %eq3A_346 : vector<256x16xi32>
    %convert_element_type3A_348 = arith.extui %eq3A_347 : vector<256x16xi1> to vector<256x16xi32>
    %mul3A_349 = vector.broadcast %broadcast_in_dim3A_344 : vector<256x1xi32> to vector<256x16xi32>
    %mul3A_350 = arith.muli %convert_element_type3A_348, %mul3A_349 : vector<256x16xi32>
    %add3A_351 = arith.addi %add3A_328, %mul3A_350 : vector<256x16xi32>
    %eq3A_352 = vector.broadcast %broadcast_in_dim3A_344 : vector<256x1xi32> to vector<256x2048xi32>
    %eq3A_353 = arith.cmpi eq, %iota3A, %eq3A_352 : vector<256x2048xi32>
    %jit3A_354 = arith.constant 0x7F800000 : f32
    %broadcast_in_dim3A_355 = vector.broadcast %jit3A_354 : f32 to vector<256x2048xf32>
    %select_n3A_356 = arith.select %eq3A_353, %broadcast_in_dim3A_355, %select_n3A_333 : vector<256x2048xi1>, vector<256x2048xf32>
    %reduce_min3A_357 = arith.constant dense<0x7F800000> : vector<256xf32>
    %reduce_min3A_358 = vector.multi_reduction <minimumf>, %select_n3A_356, %reduce_min3A_357 [1] : vector<256x2048xf32> to vector<256xf32>
    %broadcast_in_dim3A_359 = vector.shape_cast %reduce_min3A_358 : vector<256xf32> to vector<256x1xf32>
    %le3A_360 = vector.broadcast %broadcast_in_dim3A_359 : vector<256x1xf32> to vector<256x2048xf32>
    %le3A_361 = arith.cmpf ole, %select_n3A_356, %le3A_360 : vector<256x2048xf32>
    %jit3A_362 = arith.constant 2048 : i32
    %broadcast_in_dim3A_363 = vector.broadcast %jit3A_362 : i32 to vector<256x2048xi32>
    %select_n3A_364 = arith.select %le3A_361, %iota3A, %broadcast_in_dim3A_363 : vector<256x2048xi1>, vector<256x2048xi32>
    %reduce_min3A_365 = arith.constant dense<2147483647> : vector<256xi32>
    %reduce_min3A_366 = vector.multi_reduction <minsi>, %select_n3A_364, %reduce_min3A_365 [1] : vector<256x2048xi32> to vector<256xi32>
    %broadcast_in_dim3A_367 = vector.shape_cast %reduce_min3A_366 : vector<256xi32> to vector<256x1xi32>
    %eq3A_368 = arith.constant 15 : i32
    %eq3A_369 = vector.broadcast %eq3A_368 : i32 to vector<256x16xi32>
    %eq3A_370 = arith.cmpi eq, %iota3A_15, %eq3A_369 : vector<256x16xi32>
    %convert_element_type3A_371 = arith.extui %eq3A_370 : vector<256x16xi1> to vector<256x16xi32>
    %mul3A_372 = vector.broadcast %broadcast_in_dim3A_367 : vector<256x1xi32> to vector<256x16xi32>
    %mul3A_373 = arith.muli %convert_element_type3A_371, %mul3A_372 : vector<256x16xi32>
    %add3A_374 = arith.addi %add3A_351, %mul3A_373 : vector<256x16xi32>
    %swap3A = arith.constant 0 : index
    %swap3A_375 = arith.constant 0 : index
    %swap3A_376 = arith.constant 0 : index
    %swap3A_377 = vector.load %arg4[%swap3A, %swap3A_375, %swap3A_376] : memref<1x256x16xi32, #tpu.memory_space<vmem>>, vector<1x256x16xi32>
    %swap3A_378 = vector.shape_cast %swap3A_377 : vector<1x256x16xi32> to vector<256x16xi32>
    %swap3A_379 = vector.shape_cast %add3A_374 : vector<256x16xi32> to vector<1x256x16xi32>
    tpu.vector_store %arg4[%swap3A, %swap3A_375, %swap3A_376], %swap3A_379 {strides = array<i32>} : memref<1x256x16xi32, #tpu.memory_space<vmem>>, vector<1x256x16xi32>,
    return
  }
  func.func @transform_0(%arg0: i32, %arg1: i32) -> (i32, i32, i32) {
    %c0_i32 = arith.constant 0 : i32
    %c0_i32_0 = arith.constant 0 : i32
    return %arg0, %c0_i32, %arg1 : i32, i32, i32
  }
  func.func @transform_1(%arg0: i32, %arg1: i32) -> (i32, i32, i32) {
    %c0_i32 = arith.constant 0 : i32
    %c0_i32_0 = arith.constant 0 : i32
    %c0_i32_1 = arith.constant 0 : i32
    return %arg0, %c0_i32, %c0_i32_0 : i32, i32, i32
  }
  func.func @transform_2(%arg0: i32, %arg1: i32) -> (i32, i32, i32) {
    %c0_i32 = arith.constant 0 : i32
    %c0_i32_0 = arith.constant 0 : i32
    return %arg0, %arg1, %c0_i32 : i32, i32, i32
  }
}

module attributes {stable_mosaic.version = 14 : i64} {
  func.func @_fps_body(%arg0: memref<3x4x2048xf32, #tpu.memory_space<vmem>>, %arg1: memref<4x512xi32, #tpu.memory_space<vmem>>) attributes {dimension_semantics = [], scalar_prefetch = 0 : i64, scratch_operands = 0 : i64, tpu.core_type = #tpu.core_type<tc>} {
    %get3A = arith.constant 0 : index
    %get3A_0 = arith.constant 0 : index
    %get3A_1 = arith.constant 0 : index
    %get3A_2 = vector.load %arg0[%get3A, %get3A_0, %get3A_1] : memref<3x4x2048xf32, #tpu.memory_space<vmem>>, vector<1x4x2048xf32>
    %get3A_3 = vector.shape_cast %get3A_2 : vector<1x4x2048xf32> to vector<4x2048xf32>
    %get3A_4 = arith.constant 1 : index
    %get3A_5 = arith.constant 0 : index
    %get3A_6 = arith.constant 0 : index
    %get3A_7 = vector.load %arg0[%get3A_4, %get3A_5, %get3A_6] : memref<3x4x2048xf32, #tpu.memory_space<vmem>>, vector<1x4x2048xf32>
    %get3A_8 = vector.shape_cast %get3A_7 : vector<1x4x2048xf32> to vector<4x2048xf32>
    %get3A_9 = arith.constant 2 : index
    %get3A_10 = arith.constant 0 : index
    %get3A_11 = arith.constant 0 : index
    %get3A_12 = vector.load %arg0[%get3A_9, %get3A_10, %get3A_11] : memref<3x4x2048xf32, #tpu.memory_space<vmem>>, vector<1x4x2048xf32>
    %get3A_13 = vector.shape_cast %get3A_12 : vector<1x4x2048xf32> to vector<4x2048xf32>
    %iota3A = tpu.iota {dimensions = array<i32: 1>} : vector<4x2048xi32>
    %iota3A_14 = tpu.iota {dimensions = array<i32: 1>} : vector<4x512xi32>
    %iota3A_15 = tpu.iota {dimensions = array<i32: 0>} : vector<4x512xi32>
    %add3A = arith.addi %iota3A_14, %iota3A_15 : vector<4x512xi32>
    %mul3A = arith.constant 0 : i32
    %mul3A_16 = vector.broadcast %mul3A : i32 to vector<4x512xi32>
    %mul3A_17 = arith.muli %add3A, %mul3A_16 : vector<4x512xi32>
    %mul3A_18 = arith.constant 0.000000e+00 : f32
    %mul3A_19 = vector.broadcast %mul3A_18 : f32 to vector<4x2048xf32>
    %mul3A_20 = arith.mulf %get3A_3, %mul3A_19 : vector<4x2048xf32>
    %add3A_21 = arith.constant 1.000000e+10 : f32
    %add3A_22 = vector.broadcast %add3A_21 : f32 to vector<4x2048xf32>
    %add3A_23 = arith.addf %mul3A_20, %add3A_22 : vector<4x2048xf32>
    %mul3A_24 = arith.constant 0.000000e+00 : f32
    %mul3A_25 = vector.broadcast %mul3A_24 : f32 to vector<4x2048xf32>
    %mul3A_26 = arith.mulf %get3A_3, %mul3A_25 : vector<4x2048xf32>
    %reduce_min3A = arith.constant dense<0x7F800000> : vector<4xf32>
    %reduce_min3A_27 = vector.multi_reduction <minimumf>, %mul3A_26, %reduce_min3A [1] : vector<4x2048xf32> to vector<4xf32>
    %broadcast_in_dim3A = vector.shape_cast %reduce_min3A_27 : vector<4xf32> to vector<4x1xf32>
    %convert_element_type3A = arith.fptosi %broadcast_in_dim3A : vector<4x1xf32> to vector<4x1xi32>
    %scan3A = arith.constant 0 : i32
    %scan3A_28 = arith.constant 512 : i32
    %scan3A_29 = arith.addi %scan3A, %scan3A_28 : i32
    %scan3A_30 = arith.constant 1 : i32
    %scan3A_31:3 = scf.for %scan3A_35 = %scan3A to %scan3A_29 step %scan3A_30 iter_args(%scan3A_36 = %mul3A_17, %scan3A_37 = %add3A_23, %scan3A_38 = %convert_element_type3A) -> (vector<4x512xi32>, vector<4x2048xf32>, vector<4x1xi32>)  : i32 {
      %eq3A = vector.broadcast %scan3A_35 : i32 to vector<4x512xi32>
      %eq3A_39 = arith.cmpi eq, %iota3A_14, %eq3A : vector<4x512xi32>
      %convert_element_type3A_40 = arith.extui %eq3A_39 : vector<4x512xi1> to vector<4x512xi32>
      %mul3A_41 = vector.broadcast %scan3A_38 : vector<4x1xi32> to vector<4x512xi32>
      %mul3A_42 = arith.muli %convert_element_type3A_40, %mul3A_41 : vector<4x512xi32>
      %add3A_43 = arith.addi %scan3A_36, %mul3A_42 : vector<4x512xi32>
      %eq3A_44 = vector.broadcast %scan3A_38 : vector<4x1xi32> to vector<4x2048xi32>
      %eq3A_45 = arith.cmpi eq, %iota3A, %eq3A_44 : vector<4x2048xi32>
      %jit3A = arith.constant 0.000000e+00 : f32
      %broadcast_in_dim3A_46 = vector.broadcast %jit3A : f32 to vector<4x2048xf32>
      %select_n3A = arith.select %eq3A_45, %get3A_3, %broadcast_in_dim3A_46 : vector<4x2048xi1>, vector<4x2048xf32>
      %reduce_sum3A = arith.constant dense<0.000000e+00> : vector<4xf32>
      %reduce_sum3A_47 = vector.multi_reduction <add>, %select_n3A, %reduce_sum3A [1] : vector<4x2048xf32> to vector<4xf32>
      %broadcast_in_dim3A_48 = vector.shape_cast %reduce_sum3A_47 : vector<4xf32> to vector<4x1xf32>
      %jit3A_49 = arith.constant 0.000000e+00 : f32
      %broadcast_in_dim3A_50 = vector.broadcast %jit3A_49 : f32 to vector<4x2048xf32>
      %select_n3A_51 = arith.select %eq3A_45, %get3A_8, %broadcast_in_dim3A_50 : vector<4x2048xi1>, vector<4x2048xf32>
      %reduce_sum3A_52 = arith.constant dense<0.000000e+00> : vector<4xf32>
      %reduce_sum3A_53 = vector.multi_reduction <add>, %select_n3A_51, %reduce_sum3A_52 [1] : vector<4x2048xf32> to vector<4xf32>
      %broadcast_in_dim3A_54 = vector.shape_cast %reduce_sum3A_53 : vector<4xf32> to vector<4x1xf32>
      %jit3A_55 = arith.constant 0.000000e+00 : f32
      %broadcast_in_dim3A_56 = vector.broadcast %jit3A_55 : f32 to vector<4x2048xf32>
      %select_n3A_57 = arith.select %eq3A_45, %get3A_13, %broadcast_in_dim3A_56 : vector<4x2048xi1>, vector<4x2048xf32>
      %reduce_sum3A_58 = arith.constant dense<0.000000e+00> : vector<4xf32>
      %reduce_sum3A_59 = vector.multi_reduction <add>, %select_n3A_57, %reduce_sum3A_58 [1] : vector<4x2048xf32> to vector<4xf32>
      %broadcast_in_dim3A_60 = vector.shape_cast %reduce_sum3A_59 : vector<4xf32> to vector<4x1xf32>
      %sub3A = vector.broadcast %broadcast_in_dim3A_48 : vector<4x1xf32> to vector<4x2048xf32>
      %sub3A_61 = arith.subf %get3A_3, %sub3A : vector<4x2048xf32>
      %sub3A_62 = vector.broadcast %broadcast_in_dim3A_54 : vector<4x1xf32> to vector<4x2048xf32>
      %sub3A_63 = arith.subf %get3A_8, %sub3A_62 : vector<4x2048xf32>
      %sub3A_64 = vector.broadcast %broadcast_in_dim3A_60 : vector<4x1xf32> to vector<4x2048xf32>
      %sub3A_65 = arith.subf %get3A_13, %sub3A_64 : vector<4x2048xf32>
      %mul3A_66 = arith.mulf %sub3A_61, %sub3A_61 : vector<4x2048xf32>
      %mul3A_67 = arith.mulf %sub3A_63, %sub3A_63 : vector<4x2048xf32>
      %add3A_68 = arith.addf %mul3A_66, %mul3A_67 : vector<4x2048xf32>
      %mul3A_69 = arith.mulf %sub3A_65, %sub3A_65 : vector<4x2048xf32>
      %add3A_70 = arith.addf %add3A_68, %mul3A_69 : vector<4x2048xf32>
      %min3A = arith.minimumf %scan3A_37, %add3A_70 : vector<4x2048xf32>
      %reduce_max3A = arith.constant dense<0xFF800000> : vector<4xf32>
      %reduce_max3A_71 = vector.multi_reduction <maximumf>, %min3A, %reduce_max3A [1] : vector<4x2048xf32> to vector<4xf32>
      %broadcast_in_dim3A_72 = vector.shape_cast %reduce_max3A_71 : vector<4xf32> to vector<4x1xf32>
      %eq3A_73 = vector.broadcast %broadcast_in_dim3A_72 : vector<4x1xf32> to vector<4x2048xf32>
      %eq3A_74 = arith.cmpf oeq, %min3A, %eq3A_73 : vector<4x2048xf32>
      %jit3A_75 = arith.constant 2048 : i32
      %broadcast_in_dim3A_76 = vector.broadcast %jit3A_75 : i32 to vector<4x2048xi32>
      %select_n3A_77 = arith.select %eq3A_74, %iota3A, %broadcast_in_dim3A_76 : vector<4x2048xi1>, vector<4x2048xi32>
      %reduce_min3A_78 = arith.constant dense<2147483647> : vector<4xi32>
      %reduce_min3A_79 = vector.multi_reduction <minsi>, %select_n3A_77, %reduce_min3A_78 [1] : vector<4x2048xi32> to vector<4xi32>
      %broadcast_in_dim3A_80 = vector.shape_cast %reduce_min3A_79 : vector<4xi32> to vector<4x1xi32>
      scf.yield %add3A_43, %min3A, %broadcast_in_dim3A_80 : vector<4x512xi32>, vector<4x2048xf32>, vector<4x1xi32>
    }
    %scan3A_32 = arith.constant 512 : i32
    %swap3A = arith.constant 0 : index
    %swap3A_33 = arith.constant 0 : index
    %swap3A_34 = vector.load %arg1[%swap3A, %swap3A_33] : memref<4x512xi32, #tpu.memory_space<vmem>>, vector<4x512xi32>
    tpu.vector_store %arg1[%swap3A, %swap3A_33], %scan3A_31#0 {strides = array<i32>} : memref<4x512xi32, #tpu.memory_space<vmem>>, vector<4x512xi32>,
    return
  }
}

module {
  func.func @main(%arg0: i32, %arg1: i32, %arg2: i32, %arg3: memref<1x1024x1024xf32, #tpu.memory_space<vmem>>, %arg4: memref<1x1024x256xf32, #tpu.memory_space<vmem>>, %arg5: memref<1x1024x256xf32, #tpu.memory_space<vmem>>, %arg6: memref<1x1024x1xf32, #tpu.memory_space<vmem>>, %arg7: memref<1x1024x1xf32, #tpu.memory_space<vmem>>) attributes {dimension_semantics = [#tpu.dimension_semantics<parallel>, #tpu.dimension_semantics<parallel>, #tpu.dimension_semantics<arbitrary>], iteration_bounds = array<i64: 4, 2, 2>, scratch_operands = 2 : i64, window_params = [{transform_indices = @qk_fn, window_bounds = array<i64: 1, 1024, 1024>}, {transform_indices = @v_fn, window_bounds = array<i64: 1, 1024, 256>}, {transform_indices = @oi_fn, window_bounds = array<i64: 1, 1024, 256>}]} {
    %c0 = arith.constant 0 : index
    %c0_i32 = arith.constant 0 : i32
    %0 = arith.cmpi eq, %c0_i32, %arg2 : i32
    scf.if %0 {
      %cst_3 = arith.constant dense<0.000000e+00> : vector<1x1024x256xf32>
      vector.store %cst_3, %arg5[%c0, %c0, %c0] : memref<1x1024x256xf32, #tpu.memory_space<vmem>>, vector<1x1024x256xf32>
      %cst_4 = arith.constant dense<0xFF800000> : vector<1x1024x1xf32>
      vector.store %cst_4, %arg6[%c0, %c0, %c0] : memref<1x1024x1xf32, #tpu.memory_space<vmem>>, vector<1x1024x1xf32>
      %cst_5 = arith.constant dense<0.000000e+00> : vector<1x1024x1xf32>
      vector.store %cst_5, %arg7[%c0, %c0, %c0] : memref<1x1024x1xf32, #tpu.memory_space<vmem>>, vector<1x1024x1xf32>
    }
    %1 = vector.load %arg3[%c0, %c0, %c0] : memref<1x1024x1024xf32, #tpu.memory_space<vmem>>, vector<1x1024x1024xf32>
    %cst = arith.constant dense<0xFF800000> : vector<1x1024xf32>
    %2 = vector.multi_reduction <maximumf>, %1, %cst [2] : vector<1x1024x1024xf32> to vector<1x1024xf32>
    %3 = vector.shape_cast %2 : vector<1x1024xf32> to vector<1x1024x1xf32>
    %4 = vector.load %arg6[%c0, %c0, %c0] : memref<1x1024x1xf32, #tpu.memory_space<vmem>>, vector<1x1024x1xf32>
    %5 = arith.maximumf %4, %3 : vector<1x1024x1xf32>
    %cst_0 = arith.constant dense<0.000000e+00> : vector<1x1024x1xf32>
    %6 = arith.cmpf oeq, %4, %5 : vector<1x1024x1xf32>
    %7 = arith.subf %4, %5 : vector<1x1024x1xf32>
    %8 = arith.select %6, %cst_0, %7 : vector<1x1024x1xi1>, vector<1x1024x1xf32>
    %9 = vector.broadcast %5 : vector<1x1024x1xf32> to vector<1x1024x1024xf32>
    %10 = arith.subf %1, %9 : vector<1x1024x1024xf32>
    %11 = math.exp %10 : vector<1x1024x1024xf32>
    %cst_1 = arith.constant dense<0.000000e+00> : vector<1x1024xf32>
    %12 = vector.multi_reduction <add>, %11, %cst_1 [2] : vector<1x1024x1024xf32> to vector<1x1024xf32>
    %13 = vector.shape_cast %12 : vector<1x1024xf32> to vector<1x1024x1xf32>
    %14 = vector.load %arg7[%c0, %c0, %c0] : memref<1x1024x1xf32, #tpu.memory_space<vmem>>, vector<1x1024x1xf32>
    %15 = math.exp %8 : vector<1x1024x1xf32>
    %16 = arith.mulf %15, %14 : vector<1x1024x1xf32>
    %17 = arith.addf %16, %13 : vector<1x1024x1xf32>
    %18 = vector.load %arg5[%c0, %c0, %c0] : memref<1x1024x256xf32, #tpu.memory_space<vmem>>, vector<1x1024x256xf32>
    %19 = math.exp %8 : vector<1x1024x1xf32>
    %20 = arith.mulf %19, %14 : vector<1x1024x1xf32>
    %21 = vector.broadcast %20 : vector<1x1024x1xf32> to vector<1x1024x256xf32>
    %22 = arith.mulf %21, %18 : vector<1x1024x256xf32>
    %23 = vector.load %arg4[%c0, %c0, %c0] : memref<1x1024x256xf32, #tpu.memory_space<vmem>>, vector<1x1024x256xf32>
    %24 = vector.shape_cast %23 : vector<1x1024x256xf32> to vector<1024x256xf32>
    %25 = vector.shape_cast %11 : vector<1x1024x1024xf32> to vector<1024x1024xf32>
    %26 = vector.shape_cast %22 : vector<1x1024x256xf32> to vector<1024x256xf32>
    %27 = tpu.matmul %25, %24, %26 {dimension_numbers = #tpu.dot_dimension_numbers<[1], [0], [0], [1], [0, 0, 1, 1], [], []>, precision = #tpu.contract_precision<bf16>, transpose_lhs_hint = false} : vector<1024x1024xf32>, vector<1024x256xf32>, vector<1024x256xf32> -> vector<1024x256xf32>
    %28 = vector.shape_cast %27 : vector<1024x256xf32> to vector<1x1024x256xf32>
    %cst_2 = arith.constant dense<1.000000e+00> : vector<1x1024x1xf32>
    %29 = arith.divf %cst_2, %17 : vector<1x1024x1xf32>
    %30 = vector.broadcast %29 : vector<1x1024x1xf32> to vector<1x1024x256xf32>
    %31 = arith.mulf %28, %30 : vector<1x1024x256xf32>
    %32 = vector.shape_cast %31 : vector<1x1024x256xf32> to vector<1x1024x256xf32>
    vector.store %32, %arg5[%c0, %c0, %c0] : memref<1x1024x256xf32, #tpu.memory_space<vmem>>, vector<1x1024x256xf32>
    vector.store %5, %arg6[%c0, %c0, %c0] : memref<1x1024x1xf32, #tpu.memory_space<vmem>>, vector<1x1024x1xf32>
    vector.store %17, %arg7[%c0, %c0, %c0] : memref<1x1024x1xf32, #tpu.memory_space<vmem>>, vector<1x1024x1xf32>
    return
  }
  func.func @qk_fn(%arg0: i32, %arg1: i32, %arg2: i32) -> (i32, i32, i32) {
    return %arg0, %arg1, %arg2 : i32, i32, i32
  }
  func.func @v_fn(%arg0: i32, %arg1: i32, %arg2: i32) -> (i32, i32, i32) {
    %c0_i32 = arith.constant 0 : i32
    return %arg0, %arg2, %c0_i32 : i32, i32, i32
  }
  func.func @oi_fn(%arg0: i32, %arg1: i32, %arg2: i32) -> (i32, i32, i32) {
    %c0_i32 = arith.constant 0 : i32
    return %arg0, %arg1, %c0_i32 : i32, i32, i32
  }
}

module attributes {stable_mosaic.version = 14 : i64} {
  func.func @_knn_body(%arg0: i32, %arg1: i32, %arg2: memref<1x3x256xf32, #tpu.memory_space<vmem>>, %arg3: memref<1x3x2048xf32, #tpu.memory_space<vmem>>, %arg4: memref<1x256x16xi32, #tpu.memory_space<vmem>>) attributes {dimension_semantics = [#tpu.dimension_semantics<arbitrary>, #tpu.dimension_semantics<arbitrary>], iteration_bounds = array<i64: 4, 2>, scalar_prefetch = 0 : i64, scratch_operands = 0 : i64, tpu.core_type = #tpu.core_type<tc>, window_params = [{transform_indices = @transform_0, window_bounds = array<i64: 1, 3, 256>}, {transform_indices = @transform_1, window_bounds = array<i64: 1, 3, 2048>}, {transform_indices = @transform_2, window_bounds = array<i64: 1, 256, 16>}]} {
    %get3A = arith.constant 0 : index
    %get3A_0 = arith.constant 0 : index
    %get3A_1 = arith.constant 0 : index
    %get3A_2 = vector.load %arg2[%get3A, %get3A_0, %get3A_1] : memref<1x3x256xf32, #tpu.memory_space<vmem>>, vector<1x3x256xf32>
    %get3A_3 = vector.shape_cast %get3A_2 : vector<1x3x256xf32> to vector<3x256xf32>
    %get3A_4 = arith.constant 0 : index
    %get3A_5 = arith.constant 0 : index
    %get3A_6 = arith.constant 0 : index
    %get3A_7 = vector.load %arg3[%get3A_4, %get3A_5, %get3A_6] : memref<1x3x2048xf32, #tpu.memory_space<vmem>>, vector<1x3x2048xf32>
    %get3A_8 = vector.shape_cast %get3A_7 : vector<1x3x2048xf32> to vector<3x2048xf32>
    %mul3A = arith.mulf %get3A_8, %get3A_8 : vector<3x2048xf32>
    %reduce_sum3A = arith.constant dense<0.000000e+00> : vector<2048xf32>
    %reduce_sum3A_9 = vector.multi_reduction <add>, %mul3A, %reduce_sum3A [0] : vector<3x2048xf32> to vector<2048xf32>
    %broadcast_in_dim3A = vector.shape_cast %reduce_sum3A_9 : vector<2048xf32> to vector<1x2048xf32>
    %dot_general3A = arith.constant dense<0.000000e+00> : vector<256x2048xf32>
    %dot_general3A_10 = tpu.matmul %get3A_3, %get3A_8, %dot_general3A {dimension_numbers = #tpu.dot_dimension_numbers<[0], [0], [1], [1], [0, 1, 1, 1], [], []>, transpose_lhs_hint = false} : vector<3x256xf32>, vector<3x2048xf32>, vector<256x2048xf32> -> vector<256x2048xf32>
    %mul3A_11 = arith.constant 2.000000e+00 : f32
    %mul3A_12 = vector.broadcast %mul3A_11 : f32 to vector<256x2048xf32>
    %mul3A_13 = arith.mulf %mul3A_12, %dot_general3A_10 : vector<256x2048xf32>
    %sub3A = vector.broadcast %broadcast_in_dim3A : vector<1x2048xf32> to vector<256x2048xf32>
    %sub3A_14 = arith.subf %sub3A, %mul3A_13 : vector<256x2048xf32>
    %iota3A = tpu.iota {dimensions = array<i32: 1>} : vector<256x2048xi32>
    %iota3A_15 = tpu.iota {dimensions = array<i32: 1>} : vector<256x16xi32>
    %mul3A_16 = arith.constant 0 : i32
    %mul3A_17 = vector.broadcast %mul3A_16 : i32 to vector<256x16xi32>
    %mul3A_18 = arith.muli %iota3A_15, %mul3A_17 : vector<256x16xi32>
    %reduce_min3A = arith.constant dense<0x7F800000> : vector<256xf32>
    %reduce_min3A_19 = vector.multi_reduction <minimumf>, %sub3A_14, %reduce_min3A [1] : vector<256x2048xf32> to vector<256xf32>
    %broadcast_in_dim3A_20 = vector.shape_cast %reduce_min3A_19 : vector<256xf32> to vector<256x1xf32>
    %le3A = vector.broadcast %broadcast_in_dim3A_20 : vector<256x1xf32> to vector<256x2048xf32>
    %le3A_21 = arith.cmpf ole, %sub3A_14, %le3A : vector<256x2048xf32>
    %jit3A = arith.constant 2048 : i32
    %broadcast_in_dim3A_22 = vector.broadcast %jit3A : i32 to vector<256x2048xi32>
    %select_n3A = arith.select %le3A_21, %iota3A, %broadcast_in_dim3A_22 : vector<256x2048xi1>, vector<256x2048xi32>
    %reduce_min3A_23 = arith.constant dense<2147483647> : vector<256xi32>
    %reduce_min3A_24 = vector.multi_reduction <minsi>, %select_n3A, %reduce_min3A_23 [1] : vector<256x2048xi32> to vector<256xi32>
    %broadcast_in_dim3A_25 = vector.shape_cast %reduce_min3A_24 : vector<256xi32> to vector<256x1xi32>
    %eq3A = arith.constant 0 : i32
    %eq3A_26 = vector.broadcast %eq3A : i32 to vector<256x16xi32>
    %eq3A_27 = arith.cmpi eq, %iota3A_15, %eq3A_26 : vector<256x16xi32>
    %convert_element_type3A = arith.extui %eq3A_27 : vector<256x16xi1> to vector<256x16xi32>
    %mul3A_28 = vector.broadcast %broadcast_in_dim3A_25 : vector<256x1xi32> to vector<256x16xi32>
    %mul3A_29 = arith.muli %convert_element_type3A, %mul3A_28 : vector<256x16xi32>
    %add3A = arith.addi %mul3A_18, %mul3A_29 : vector<256x16xi32>
    %eq3A_30 = vector.broadcast %broadcast_in_dim3A_25 : vector<256x1xi32> to vector<256x2048xi32>
    %eq3A_31 = arith.cmpi eq, %iota3A, %eq3A_30 : vector<256x2048xi32>
    %jit3A_32 = arith.constant 0x7F800000 : f32
    %broadcast_in_dim3A_33 = vector.broadcast %jit3A_32 : f32 to vector<256x2048xf32>
    %select_n3A_34 = arith.select %eq3A_31, %broadcast_in_dim3A_33, %sub3A_14 : vector<256x2048xi1>, vector<256x2048xf32>
    %reduce_min3A_35 = arith.constant dense<0x7F800000> : vector<256xf32>
    %reduce_min3A_36 = vector.multi_reduction <minimumf>, %select_n3A_34, %reduce_min3A_35 [1] : vector<256x2048xf32> to vector<256xf32>
    %broadcast_in_dim3A_37 = vector.shape_cast %reduce_min3A_36 : vector<256xf32> to vector<256x1xf32>
    %le3A_38 = vector.broadcast %broadcast_in_dim3A_37 : vector<256x1xf32> to vector<256x2048xf32>
    %le3A_39 = arith.cmpf ole, %select_n3A_34, %le3A_38 : vector<256x2048xf32>
    %jit3A_40 = arith.constant 2048 : i32
    %broadcast_in_dim3A_41 = vector.broadcast %jit3A_40 : i32 to vector<256x2048xi32>
    %select_n3A_42 = arith.select %le3A_39, %iota3A, %broadcast_in_dim3A_41 : vector<256x2048xi1>, vector<256x2048xi32>
    %reduce_min3A_43 = arith.constant dense<2147483647> : vector<256xi32>
    %reduce_min3A_44 = vector.multi_reduction <minsi>, %select_n3A_42, %reduce_min3A_43 [1] : vector<256x2048xi32> to vector<256xi32>
    %broadcast_in_dim3A_45 = vector.shape_cast %reduce_min3A_44 : vector<256xi32> to vector<256x1xi32>
    %eq3A_46 = arith.constant 1 : i32
    %eq3A_47 = vector.broadcast %eq3A_46 : i32 to vector<256x16xi32>
    %eq3A_48 = arith.cmpi eq, %iota3A_15, %eq3A_47 : vector<256x16xi32>
    %convert_element_type3A_49 = arith.extui %eq3A_48 : vector<256x16xi1> to vector<256x16xi32>
    %mul3A_50 = vector.broadcast %broadcast_in_dim3A_45 : vector<256x1xi32> to vector<256x16xi32>
    %mul3A_51 = arith.muli %convert_element_type3A_49, %mul3A_50 : vector<256x16xi32>
    %add3A_52 = arith.addi %add3A, %mul3A_51 : vector<256x16xi32>
    %eq3A_53 = vector.broadcast %broadcast_in_dim3A_45 : vector<256x1xi32> to vector<256x2048xi32>
    %eq3A_54 = arith.cmpi eq, %iota3A, %eq3A_53 : vector<256x2048xi32>
    %jit3A_55 = arith.constant 0x7F800000 : f32
    %broadcast_in_dim3A_56 = vector.broadcast %jit3A_55 : f32 to vector<256x2048xf32>
    %select_n3A_57 = arith.select %eq3A_54, %broadcast_in_dim3A_56, %select_n3A_34 : vector<256x2048xi1>, vector<256x2048xf32>
    %reduce_min3A_58 = arith.constant dense<0x7F800000> : vector<256xf32>
    %reduce_min3A_59 = vector.multi_reduction <minimumf>, %select_n3A_57, %reduce_min3A_58 [1] : vector<256x2048xf32> to vector<256xf32>
    %broadcast_in_dim3A_60 = vector.shape_cast %reduce_min3A_59 : vector<256xf32> to vector<256x1xf32>
    %le3A_61 = vector.broadcast %broadcast_in_dim3A_60 : vector<256x1xf32> to vector<256x2048xf32>
    %le3A_62 = arith.cmpf ole, %select_n3A_57, %le3A_61 : vector<256x2048xf32>
    %jit3A_63 = arith.constant 2048 : i32
    %broadcast_in_dim3A_64 = vector.broadcast %jit3A_63 : i32 to vector<256x2048xi32>
    %select_n3A_65 = arith.select %le3A_62, %iota3A, %broadcast_in_dim3A_64 : vector<256x2048xi1>, vector<256x2048xi32>
    %reduce_min3A_66 = arith.constant dense<2147483647> : vector<256xi32>
    %reduce_min3A_67 = vector.multi_reduction <minsi>, %select_n3A_65, %reduce_min3A_66 [1] : vector<256x2048xi32> to vector<256xi32>
    %broadcast_in_dim3A_68 = vector.shape_cast %reduce_min3A_67 : vector<256xi32> to vector<256x1xi32>
    %eq3A_69 = arith.constant 2 : i32
    %eq3A_70 = vector.broadcast %eq3A_69 : i32 to vector<256x16xi32>
    %eq3A_71 = arith.cmpi eq, %iota3A_15, %eq3A_70 : vector<256x16xi32>
    %convert_element_type3A_72 = arith.extui %eq3A_71 : vector<256x16xi1> to vector<256x16xi32>
    %mul3A_73 = vector.broadcast %broadcast_in_dim3A_68 : vector<256x1xi32> to vector<256x16xi32>
    %mul3A_74 = arith.muli %convert_element_type3A_72, %mul3A_73 : vector<256x16xi32>
    %add3A_75 = arith.addi %add3A_52, %mul3A_74 : vector<256x16xi32>
    %eq3A_76 = vector.broadcast %broadcast_in_dim3A_68 : vector<256x1xi32> to vector<256x2048xi32>
    %eq3A_77 = arith.cmpi eq, %iota3A, %eq3A_76 : vector<256x2048xi32>
    %jit3A_78 = arith.constant 0x7F800000 : f32
    %broadcast_in_dim3A_79 = vector.broadcast %jit3A_78 : f32 to vector<256x2048xf32>
    %select_n3A_80 = arith.select %eq3A_77, %broadcast_in_dim3A_79, %select_n3A_57 : vector<256x2048xi1>, vector<256x2048xf32>
    %reduce_min3A_81 = arith.constant dense<0x7F800000> : vector<256xf32>
    %reduce_min3A_82 = vector.multi_reduction <minimumf>, %select_n3A_80, %reduce_min3A_81 [1] : vector<256x2048xf32> to vector<256xf32>
    %broadcast_in_dim3A_83 = vector.shape_cast %reduce_min3A_82 : vector<256xf32> to vector<256x1xf32>
    %le3A_84 = vector.broadcast %broadcast_in_dim3A_83 : vector<256x1xf32> to vector<256x2048xf32>
    %le3A_85 = arith.cmpf ole, %select_n3A_80, %le3A_84 : vector<256x2048xf32>
    %jit3A_86 = arith.constant 2048 : i32
    %broadcast_in_dim3A_87 = vector.broadcast %jit3A_86 : i32 to vector<256x2048xi32>
    %select_n3A_88 = arith.select %le3A_85, %iota3A, %broadcast_in_dim3A_87 : vector<256x2048xi1>, vector<256x2048xi32>
    %reduce_min3A_89 = arith.constant dense<2147483647> : vector<256xi32>
    %reduce_min3A_90 = vector.multi_reduction <minsi>, %select_n3A_88, %reduce_min3A_89 [1] : vector<256x2048xi32> to vector<256xi32>
    %broadcast_in_dim3A_91 = vector.shape_cast %reduce_min3A_90 : vector<256xi32> to vector<256x1xi32>
    %eq3A_92 = arith.constant 3 : i32
    %eq3A_93 = vector.broadcast %eq3A_92 : i32 to vector<256x16xi32>
    %eq3A_94 = arith.cmpi eq, %iota3A_15, %eq3A_93 : vector<256x16xi32>
    %convert_element_type3A_95 = arith.extui %eq3A_94 : vector<256x16xi1> to vector<256x16xi32>
    %mul3A_96 = vector.broadcast %broadcast_in_dim3A_91 : vector<256x1xi32> to vector<256x16xi32>
    %mul3A_97 = arith.muli %convert_element_type3A_95, %mul3A_96 : vector<256x16xi32>
    %add3A_98 = arith.addi %add3A_75, %mul3A_97 : vector<256x16xi32>
    %eq3A_99 = vector.broadcast %broadcast_in_dim3A_91 : vector<256x1xi32> to vector<256x2048xi32>
    %eq3A_100 = arith.cmpi eq, %iota3A, %eq3A_99 : vector<256x2048xi32>
    %jit3A_101 = arith.constant 0x7F800000 : f32
    %broadcast_in_dim3A_102 = vector.broadcast %jit3A_101 : f32 to vector<256x2048xf32>
    %select_n3A_103 = arith.select %eq3A_100, %broadcast_in_dim3A_102, %select_n3A_80 : vector<256x2048xi1>, vector<256x2048xf32>
    %reduce_min3A_104 = arith.constant dense<0x7F800000> : vector<256xf32>
    %reduce_min3A_105 = vector.multi_reduction <minimumf>, %select_n3A_103, %reduce_min3A_104 [1] : vector<256x2048xf32> to vector<256xf32>
    %broadcast_in_dim3A_106 = vector.shape_cast %reduce_min3A_105 : vector<256xf32> to vector<256x1xf32>
    %le3A_107 = vector.broadcast %broadcast_in_dim3A_106 : vector<256x1xf32> to vector<256x2048xf32>
    %le3A_108 = arith.cmpf ole, %select_n3A_103, %le3A_107 : vector<256x2048xf32>
    %jit3A_109 = arith.constant 2048 : i32
    %broadcast_in_dim3A_110 = vector.broadcast %jit3A_109 : i32 to vector<256x2048xi32>
    %select_n3A_111 = arith.select %le3A_108, %iota3A, %broadcast_in_dim3A_110 : vector<256x2048xi1>, vector<256x2048xi32>
    %reduce_min3A_112 = arith.constant dense<2147483647> : vector<256xi32>
    %reduce_min3A_113 = vector.multi_reduction <minsi>, %select_n3A_111, %reduce_min3A_112 [1] : vector<256x2048xi32> to vector<256xi32>
    %broadcast_in_dim3A_114 = vector.shape_cast %reduce_min3A_113 : vector<256xi32> to vector<256x1xi32>
    %eq3A_115 = arith.constant 4 : i32
    %eq3A_116 = vector.broadcast %eq3A_115 : i32 to vector<256x16xi32>
    %eq3A_117 = arith.cmpi eq, %iota3A_15, %eq3A_116 : vector<256x16xi32>
    %convert_element_type3A_118 = arith.extui %eq3A_117 : vector<256x16xi1> to vector<256x16xi32>
    %mul3A_119 = vector.broadcast %broadcast_in_dim3A_114 : vector<256x1xi32> to vector<256x16xi32>
    %mul3A_120 = arith.muli %convert_element_type3A_118, %mul3A_119 : vector<256x16xi32>
    %add3A_121 = arith.addi %add3A_98, %mul3A_120 : vector<256x16xi32>
    %eq3A_122 = vector.broadcast %broadcast_in_dim3A_114 : vector<256x1xi32> to vector<256x2048xi32>
    %eq3A_123 = arith.cmpi eq, %iota3A, %eq3A_122 : vector<256x2048xi32>
    %jit3A_124 = arith.constant 0x7F800000 : f32
    %broadcast_in_dim3A_125 = vector.broadcast %jit3A_124 : f32 to vector<256x2048xf32>
    %select_n3A_126 = arith.select %eq3A_123, %broadcast_in_dim3A_125, %select_n3A_103 : vector<256x2048xi1>, vector<256x2048xf32>
    %reduce_min3A_127 = arith.constant dense<0x7F800000> : vector<256xf32>
    %reduce_min3A_128 = vector.multi_reduction <minimumf>, %select_n3A_126, %reduce_min3A_127 [1] : vector<256x2048xf32> to vector<256xf32>
    %broadcast_in_dim3A_129 = vector.shape_cast %reduce_min3A_128 : vector<256xf32> to vector<256x1xf32>
    %le3A_130 = vector.broadcast %broadcast_in_dim3A_129 : vector<256x1xf32> to vector<256x2048xf32>
    %le3A_131 = arith.cmpf ole, %select_n3A_126, %le3A_130 : vector<256x2048xf32>
    %jit3A_132 = arith.constant 2048 : i32
    %broadcast_in_dim3A_133 = vector.broadcast %jit3A_132 : i32 to vector<256x2048xi32>
    %select_n3A_134 = arith.select %le3A_131, %iota3A, %broadcast_in_dim3A_133 : vector<256x2048xi1>, vector<256x2048xi32>
    %reduce_min3A_135 = arith.constant dense<2147483647> : vector<256xi32>
    %reduce_min3A_136 = vector.multi_reduction <minsi>, %select_n3A_134, %reduce_min3A_135 [1] : vector<256x2048xi32> to vector<256xi32>
    %broadcast_in_dim3A_137 = vector.shape_cast %reduce_min3A_136 : vector<256xi32> to vector<256x1xi32>
    %eq3A_138 = arith.constant 5 : i32
    %eq3A_139 = vector.broadcast %eq3A_138 : i32 to vector<256x16xi32>
    %eq3A_140 = arith.cmpi eq, %iota3A_15, %eq3A_139 : vector<256x16xi32>
    %convert_element_type3A_141 = arith.extui %eq3A_140 : vector<256x16xi1> to vector<256x16xi32>
    %mul3A_142 = vector.broadcast %broadcast_in_dim3A_137 : vector<256x1xi32> to vector<256x16xi32>
    %mul3A_143 = arith.muli %convert_element_type3A_141, %mul3A_142 : vector<256x16xi32>
    %add3A_144 = arith.addi %add3A_121, %mul3A_143 : vector<256x16xi32>
    %eq3A_145 = vector.broadcast %broadcast_in_dim3A_137 : vector<256x1xi32> to vector<256x2048xi32>
    %eq3A_146 = arith.cmpi eq, %iota3A, %eq3A_145 : vector<256x2048xi32>
    %jit3A_147 = arith.constant 0x7F800000 : f32
    %broadcast_in_dim3A_148 = vector.broadcast %jit3A_147 : f32 to vector<256x2048xf32>
    %select_n3A_149 = arith.select %eq3A_146, %broadcast_in_dim3A_148, %select_n3A_126 : vector<256x2048xi1>, vector<256x2048xf32>
    %reduce_min3A_150 = arith.constant dense<0x7F800000> : vector<256xf32>
    %reduce_min3A_151 = vector.multi_reduction <minimumf>, %select_n3A_149, %reduce_min3A_150 [1] : vector<256x2048xf32> to vector<256xf32>
    %broadcast_in_dim3A_152 = vector.shape_cast %reduce_min3A_151 : vector<256xf32> to vector<256x1xf32>
    %le3A_153 = vector.broadcast %broadcast_in_dim3A_152 : vector<256x1xf32> to vector<256x2048xf32>
    %le3A_154 = arith.cmpf ole, %select_n3A_149, %le3A_153 : vector<256x2048xf32>
    %jit3A_155 = arith.constant 2048 : i32
    %broadcast_in_dim3A_156 = vector.broadcast %jit3A_155 : i32 to vector<256x2048xi32>
    %select_n3A_157 = arith.select %le3A_154, %iota3A, %broadcast_in_dim3A_156 : vector<256x2048xi1>, vector<256x2048xi32>
    %reduce_min3A_158 = arith.constant dense<2147483647> : vector<256xi32>
    %reduce_min3A_159 = vector.multi_reduction <minsi>, %select_n3A_157, %reduce_min3A_158 [1] : vector<256x2048xi32> to vector<256xi32>
    %broadcast_in_dim3A_160 = vector.shape_cast %reduce_min3A_159 : vector<256xi32> to vector<256x1xi32>
    %eq3A_161 = arith.constant 6 : i32
    %eq3A_162 = vector.broadcast %eq3A_161 : i32 to vector<256x16xi32>
    %eq3A_163 = arith.cmpi eq, %iota3A_15, %eq3A_162 : vector<256x16xi32>
    %convert_element_type3A_164 = arith.extui %eq3A_163 : vector<256x16xi1> to vector<256x16xi32>
    %mul3A_165 = vector.broadcast %broadcast_in_dim3A_160 : vector<256x1xi32> to vector<256x16xi32>
    %mul3A_166 = arith.muli %convert_element_type3A_164, %mul3A_165 : vector<256x16xi32>
    %add3A_167 = arith.addi %add3A_144, %mul3A_166 : vector<256x16xi32>
    %eq3A_168 = vector.broadcast %broadcast_in_dim3A_160 : vector<256x1xi32> to vector<256x2048xi32>
    %eq3A_169 = arith.cmpi eq, %iota3A, %eq3A_168 : vector<256x2048xi32>
    %jit3A_170 = arith.constant 0x7F800000 : f32
    %broadcast_in_dim3A_171 = vector.broadcast %jit3A_170 : f32 to vector<256x2048xf32>
    %select_n3A_172 = arith.select %eq3A_169, %broadcast_in_dim3A_171, %select_n3A_149 : vector<256x2048xi1>, vector<256x2048xf32>
    %reduce_min3A_173 = arith.constant dense<0x7F800000> : vector<256xf32>
    %reduce_min3A_174 = vector.multi_reduction <minimumf>, %select_n3A_172, %reduce_min3A_173 [1] : vector<256x2048xf32> to vector<256xf32>
    %broadcast_in_dim3A_175 = vector.shape_cast %reduce_min3A_174 : vector<256xf32> to vector<256x1xf32>
    %le3A_176 = vector.broadcast %broadcast_in_dim3A_175 : vector<256x1xf32> to vector<256x2048xf32>
    %le3A_177 = arith.cmpf ole, %select_n3A_172, %le3A_176 : vector<256x2048xf32>
    %jit3A_178 = arith.constant 2048 : i32
    %broadcast_in_dim3A_179 = vector.broadcast %jit3A_178 : i32 to vector<256x2048xi32>
    %select_n3A_180 = arith.select %le3A_177, %iota3A, %broadcast_in_dim3A_179 : vector<256x2048xi1>, vector<256x2048xi32>
    %reduce_min3A_181 = arith.constant dense<2147483647> : vector<256xi32>
    %reduce_min3A_182 = vector.multi_reduction <minsi>, %select_n3A_180, %reduce_min3A_181 [1] : vector<256x2048xi32> to vector<256xi32>
    %broadcast_in_dim3A_183 = vector.shape_cast %reduce_min3A_182 : vector<256xi32> to vector<256x1xi32>
    %eq3A_184 = arith.constant 7 : i32
    %eq3A_185 = vector.broadcast %eq3A_184 : i32 to vector<256x16xi32>
    %eq3A_186 = arith.cmpi eq, %iota3A_15, %eq3A_185 : vector<256x16xi32>
    %convert_element_type3A_187 = arith.extui %eq3A_186 : vector<256x16xi1> to vector<256x16xi32>
    %mul3A_188 = vector.broadcast %broadcast_in_dim3A_183 : vector<256x1xi32> to vector<256x16xi32>
    %mul3A_189 = arith.muli %convert_element_type3A_187, %mul3A_188 : vector<256x16xi32>
    %add3A_190 = arith.addi %add3A_167, %mul3A_189 : vector<256x16xi32>
    %eq3A_191 = vector.broadcast %broadcast_in_dim3A_183 : vector<256x1xi32> to vector<256x2048xi32>
    %eq3A_192 = arith.cmpi eq, %iota3A, %eq3A_191 : vector<256x2048xi32>
    %jit3A_193 = arith.constant 0x7F800000 : f32
    %broadcast_in_dim3A_194 = vector.broadcast %jit3A_193 : f32 to vector<256x2048xf32>
    %select_n3A_195 = arith.select %eq3A_192, %broadcast_in_dim3A_194, %select_n3A_172 : vector<256x2048xi1>, vector<256x2048xf32>
    %reduce_min3A_196 = arith.constant dense<0x7F800000> : vector<256xf32>
    %reduce_min3A_197 = vector.multi_reduction <minimumf>, %select_n3A_195, %reduce_min3A_196 [1] : vector<256x2048xf32> to vector<256xf32>
    %broadcast_in_dim3A_198 = vector.shape_cast %reduce_min3A_197 : vector<256xf32> to vector<256x1xf32>
    %le3A_199 = vector.broadcast %broadcast_in_dim3A_198 : vector<256x1xf32> to vector<256x2048xf32>
    %le3A_200 = arith.cmpf ole, %select_n3A_195, %le3A_199 : vector<256x2048xf32>
    %jit3A_201 = arith.constant 2048 : i32
    %broadcast_in_dim3A_202 = vector.broadcast %jit3A_201 : i32 to vector<256x2048xi32>
    %select_n3A_203 = arith.select %le3A_200, %iota3A, %broadcast_in_dim3A_202 : vector<256x2048xi1>, vector<256x2048xi32>
    %reduce_min3A_204 = arith.constant dense<2147483647> : vector<256xi32>
    %reduce_min3A_205 = vector.multi_reduction <minsi>, %select_n3A_203, %reduce_min3A_204 [1] : vector<256x2048xi32> to vector<256xi32>
    %broadcast_in_dim3A_206 = vector.shape_cast %reduce_min3A_205 : vector<256xi32> to vector<256x1xi32>
    %eq3A_207 = arith.constant 8 : i32
    %eq3A_208 = vector.broadcast %eq3A_207 : i32 to vector<256x16xi32>
    %eq3A_209 = arith.cmpi eq, %iota3A_15, %eq3A_208 : vector<256x16xi32>
    %convert_element_type3A_210 = arith.extui %eq3A_209 : vector<256x16xi1> to vector<256x16xi32>
    %mul3A_211 = vector.broadcast %broadcast_in_dim3A_206 : vector<256x1xi32> to vector<256x16xi32>
    %mul3A_212 = arith.muli %convert_element_type3A_210, %mul3A_211 : vector<256x16xi32>
    %add3A_213 = arith.addi %add3A_190, %mul3A_212 : vector<256x16xi32>
    %eq3A_214 = vector.broadcast %broadcast_in_dim3A_206 : vector<256x1xi32> to vector<256x2048xi32>
    %eq3A_215 = arith.cmpi eq, %iota3A, %eq3A_214 : vector<256x2048xi32>
    %jit3A_216 = arith.constant 0x7F800000 : f32
    %broadcast_in_dim3A_217 = vector.broadcast %jit3A_216 : f32 to vector<256x2048xf32>
    %select_n3A_218 = arith.select %eq3A_215, %broadcast_in_dim3A_217, %select_n3A_195 : vector<256x2048xi1>, vector<256x2048xf32>
    %reduce_min3A_219 = arith.constant dense<0x7F800000> : vector<256xf32>
    %reduce_min3A_220 = vector.multi_reduction <minimumf>, %select_n3A_218, %reduce_min3A_219 [1] : vector<256x2048xf32> to vector<256xf32>
    %broadcast_in_dim3A_221 = vector.shape_cast %reduce_min3A_220 : vector<256xf32> to vector<256x1xf32>
    %le3A_222 = vector.broadcast %broadcast_in_dim3A_221 : vector<256x1xf32> to vector<256x2048xf32>
    %le3A_223 = arith.cmpf ole, %select_n3A_218, %le3A_222 : vector<256x2048xf32>
    %jit3A_224 = arith.constant 2048 : i32
    %broadcast_in_dim3A_225 = vector.broadcast %jit3A_224 : i32 to vector<256x2048xi32>
    %select_n3A_226 = arith.select %le3A_223, %iota3A, %broadcast_in_dim3A_225 : vector<256x2048xi1>, vector<256x2048xi32>
    %reduce_min3A_227 = arith.constant dense<2147483647> : vector<256xi32>
    %reduce_min3A_228 = vector.multi_reduction <minsi>, %select_n3A_226, %reduce_min3A_227 [1] : vector<256x2048xi32> to vector<256xi32>
    %broadcast_in_dim3A_229 = vector.shape_cast %reduce_min3A_228 : vector<256xi32> to vector<256x1xi32>
    %eq3A_230 = arith.constant 9 : i32
    %eq3A_231 = vector.broadcast %eq3A_230 : i32 to vector<256x16xi32>
    %eq3A_232 = arith.cmpi eq, %iota3A_15, %eq3A_231 : vector<256x16xi32>
    %convert_element_type3A_233 = arith.extui %eq3A_232 : vector<256x16xi1> to vector<256x16xi32>
    %mul3A_234 = vector.broadcast %broadcast_in_dim3A_229 : vector<256x1xi32> to vector<256x16xi32>
    %mul3A_235 = arith.muli %convert_element_type3A_233, %mul3A_234 : vector<256x16xi32>
    %add3A_236 = arith.addi %add3A_213, %mul3A_235 : vector<256x16xi32>
    %eq3A_237 = vector.broadcast %broadcast_in_dim3A_229 : vector<256x1xi32> to vector<256x2048xi32>
    %eq3A_238 = arith.cmpi eq, %iota3A, %eq3A_237 : vector<256x2048xi32>
    %jit3A_239 = arith.constant 0x7F800000 : f32
    %broadcast_in_dim3A_240 = vector.broadcast %jit3A_239 : f32 to vector<256x2048xf32>
    %select_n3A_241 = arith.select %eq3A_238, %broadcast_in_dim3A_240, %select_n3A_218 : vector<256x2048xi1>, vector<256x2048xf32>
    %reduce_min3A_242 = arith.constant dense<0x7F800000> : vector<256xf32>
    %reduce_min3A_243 = vector.multi_reduction <minimumf>, %select_n3A_241, %reduce_min3A_242 [1] : vector<256x2048xf32> to vector<256xf32>
    %broadcast_in_dim3A_244 = vector.shape_cast %reduce_min3A_243 : vector<256xf32> to vector<256x1xf32>
    %le3A_245 = vector.broadcast %broadcast_in_dim3A_244 : vector<256x1xf32> to vector<256x2048xf32>
    %le3A_246 = arith.cmpf ole, %select_n3A_241, %le3A_245 : vector<256x2048xf32>
    %jit3A_247 = arith.constant 2048 : i32
    %broadcast_in_dim3A_248 = vector.broadcast %jit3A_247 : i32 to vector<256x2048xi32>
    %select_n3A_249 = arith.select %le3A_246, %iota3A, %broadcast_in_dim3A_248 : vector<256x2048xi1>, vector<256x2048xi32>
    %reduce_min3A_250 = arith.constant dense<2147483647> : vector<256xi32>
    %reduce_min3A_251 = vector.multi_reduction <minsi>, %select_n3A_249, %reduce_min3A_250 [1] : vector<256x2048xi32> to vector<256xi32>
    %broadcast_in_dim3A_252 = vector.shape_cast %reduce_min3A_251 : vector<256xi32> to vector<256x1xi32>
    %eq3A_253 = arith.constant 10 : i32
    %eq3A_254 = vector.broadcast %eq3A_253 : i32 to vector<256x16xi32>
    %eq3A_255 = arith.cmpi eq, %iota3A_15, %eq3A_254 : vector<256x16xi32>
    %convert_element_type3A_256 = arith.extui %eq3A_255 : vector<256x16xi1> to vector<256x16xi32>
    %mul3A_257 = vector.broadcast %broadcast_in_dim3A_252 : vector<256x1xi32> to vector<256x16xi32>
    %mul3A_258 = arith.muli %convert_element_type3A_256, %mul3A_257 : vector<256x16xi32>
    %add3A_259 = arith.addi %add3A_236, %mul3A_258 : vector<256x16xi32>
    %eq3A_260 = vector.broadcast %broadcast_in_dim3A_252 : vector<256x1xi32> to vector<256x2048xi32>
    %eq3A_261 = arith.cmpi eq, %iota3A, %eq3A_260 : vector<256x2048xi32>
    %jit3A_262 = arith.constant 0x7F800000 : f32
    %broadcast_in_dim3A_263 = vector.broadcast %jit3A_262 : f32 to vector<256x2048xf32>
    %select_n3A_264 = arith.select %eq3A_261, %broadcast_in_dim3A_263, %select_n3A_241 : vector<256x2048xi1>, vector<256x2048xf32>
    %reduce_min3A_265 = arith.constant dense<0x7F800000> : vector<256xf32>
    %reduce_min3A_266 = vector.multi_reduction <minimumf>, %select_n3A_264, %reduce_min3A_265 [1] : vector<256x2048xf32> to vector<256xf32>
    %broadcast_in_dim3A_267 = vector.shape_cast %reduce_min3A_266 : vector<256xf32> to vector<256x1xf32>
    %le3A_268 = vector.broadcast %broadcast_in_dim3A_267 : vector<256x1xf32> to vector<256x2048xf32>
    %le3A_269 = arith.cmpf ole, %select_n3A_264, %le3A_268 : vector<256x2048xf32>
    %jit3A_270 = arith.constant 2048 : i32
    %broadcast_in_dim3A_271 = vector.broadcast %jit3A_270 : i32 to vector<256x2048xi32>
    %select_n3A_272 = arith.select %le3A_269, %iota3A, %broadcast_in_dim3A_271 : vector<256x2048xi1>, vector<256x2048xi32>
    %reduce_min3A_273 = arith.constant dense<2147483647> : vector<256xi32>
    %reduce_min3A_274 = vector.multi_reduction <minsi>, %select_n3A_272, %reduce_min3A_273 [1] : vector<256x2048xi32> to vector<256xi32>
    %broadcast_in_dim3A_275 = vector.shape_cast %reduce_min3A_274 : vector<256xi32> to vector<256x1xi32>
    %eq3A_276 = arith.constant 11 : i32
    %eq3A_277 = vector.broadcast %eq3A_276 : i32 to vector<256x16xi32>
    %eq3A_278 = arith.cmpi eq, %iota3A_15, %eq3A_277 : vector<256x16xi32>
    %convert_element_type3A_279 = arith.extui %eq3A_278 : vector<256x16xi1> to vector<256x16xi32>
    %mul3A_280 = vector.broadcast %broadcast_in_dim3A_275 : vector<256x1xi32> to vector<256x16xi32>
    %mul3A_281 = arith.muli %convert_element_type3A_279, %mul3A_280 : vector<256x16xi32>
    %add3A_282 = arith.addi %add3A_259, %mul3A_281 : vector<256x16xi32>
    %eq3A_283 = vector.broadcast %broadcast_in_dim3A_275 : vector<256x1xi32> to vector<256x2048xi32>
    %eq3A_284 = arith.cmpi eq, %iota3A, %eq3A_283 : vector<256x2048xi32>
    %jit3A_285 = arith.constant 0x7F800000 : f32
    %broadcast_in_dim3A_286 = vector.broadcast %jit3A_285 : f32 to vector<256x2048xf32>
    %select_n3A_287 = arith.select %eq3A_284, %broadcast_in_dim3A_286, %select_n3A_264 : vector<256x2048xi1>, vector<256x2048xf32>
    %reduce_min3A_288 = arith.constant dense<0x7F800000> : vector<256xf32>
    %reduce_min3A_289 = vector.multi_reduction <minimumf>, %select_n3A_287, %reduce_min3A_288 [1] : vector<256x2048xf32> to vector<256xf32>
    %broadcast_in_dim3A_290 = vector.shape_cast %reduce_min3A_289 : vector<256xf32> to vector<256x1xf32>
    %le3A_291 = vector.broadcast %broadcast_in_dim3A_290 : vector<256x1xf32> to vector<256x2048xf32>
    %le3A_292 = arith.cmpf ole, %select_n3A_287, %le3A_291 : vector<256x2048xf32>
    %jit3A_293 = arith.constant 2048 : i32
    %broadcast_in_dim3A_294 = vector.broadcast %jit3A_293 : i32 to vector<256x2048xi32>
    %select_n3A_295 = arith.select %le3A_292, %iota3A, %broadcast_in_dim3A_294 : vector<256x2048xi1>, vector<256x2048xi32>
    %reduce_min3A_296 = arith.constant dense<2147483647> : vector<256xi32>
    %reduce_min3A_297 = vector.multi_reduction <minsi>, %select_n3A_295, %reduce_min3A_296 [1] : vector<256x2048xi32> to vector<256xi32>
    %broadcast_in_dim3A_298 = vector.shape_cast %reduce_min3A_297 : vector<256xi32> to vector<256x1xi32>
    %eq3A_299 = arith.constant 12 : i32
    %eq3A_300 = vector.broadcast %eq3A_299 : i32 to vector<256x16xi32>
    %eq3A_301 = arith.cmpi eq, %iota3A_15, %eq3A_300 : vector<256x16xi32>
    %convert_element_type3A_302 = arith.extui %eq3A_301 : vector<256x16xi1> to vector<256x16xi32>
    %mul3A_303 = vector.broadcast %broadcast_in_dim3A_298 : vector<256x1xi32> to vector<256x16xi32>
    %mul3A_304 = arith.muli %convert_element_type3A_302, %mul3A_303 : vector<256x16xi32>
    %add3A_305 = arith.addi %add3A_282, %mul3A_304 : vector<256x16xi32>
    %eq3A_306 = vector.broadcast %broadcast_in_dim3A_298 : vector<256x1xi32> to vector<256x2048xi32>
    %eq3A_307 = arith.cmpi eq, %iota3A, %eq3A_306 : vector<256x2048xi32>
    %jit3A_308 = arith.constant 0x7F800000 : f32
    %broadcast_in_dim3A_309 = vector.broadcast %jit3A_308 : f32 to vector<256x2048xf32>
    %select_n3A_310 = arith.select %eq3A_307, %broadcast_in_dim3A_309, %select_n3A_287 : vector<256x2048xi1>, vector<256x2048xf32>
    %reduce_min3A_311 = arith.constant dense<0x7F800000> : vector<256xf32>
    %reduce_min3A_312 = vector.multi_reduction <minimumf>, %select_n3A_310, %reduce_min3A_311 [1] : vector<256x2048xf32> to vector<256xf32>
    %broadcast_in_dim3A_313 = vector.shape_cast %reduce_min3A_312 : vector<256xf32> to vector<256x1xf32>
    %le3A_314 = vector.broadcast %broadcast_in_dim3A_313 : vector<256x1xf32> to vector<256x2048xf32>
    %le3A_315 = arith.cmpf ole, %select_n3A_310, %le3A_314 : vector<256x2048xf32>
    %jit3A_316 = arith.constant 2048 : i32
    %broadcast_in_dim3A_317 = vector.broadcast %jit3A_316 : i32 to vector<256x2048xi32>
    %select_n3A_318 = arith.select %le3A_315, %iota3A, %broadcast_in_dim3A_317 : vector<256x2048xi1>, vector<256x2048xi32>
    %reduce_min3A_319 = arith.constant dense<2147483647> : vector<256xi32>
    %reduce_min3A_320 = vector.multi_reduction <minsi>, %select_n3A_318, %reduce_min3A_319 [1] : vector<256x2048xi32> to vector<256xi32>
    %broadcast_in_dim3A_321 = vector.shape_cast %reduce_min3A_320 : vector<256xi32> to vector<256x1xi32>
    %eq3A_322 = arith.constant 13 : i32
    %eq3A_323 = vector.broadcast %eq3A_322 : i32 to vector<256x16xi32>
    %eq3A_324 = arith.cmpi eq, %iota3A_15, %eq3A_323 : vector<256x16xi32>
    %convert_element_type3A_325 = arith.extui %eq3A_324 : vector<256x16xi1> to vector<256x16xi32>
    %mul3A_326 = vector.broadcast %broadcast_in_dim3A_321 : vector<256x1xi32> to vector<256x16xi32>
    %mul3A_327 = arith.muli %convert_element_type3A_325, %mul3A_326 : vector<256x16xi32>
    %add3A_328 = arith.addi %add3A_305, %mul3A_327 : vector<256x16xi32>
    %eq3A_329 = vector.broadcast %broadcast_in_dim3A_321 : vector<256x1xi32> to vector<256x2048xi32>
    %eq3A_330 = arith.cmpi eq, %iota3A, %eq3A_329 : vector<256x2048xi32>
    %jit3A_331 = arith.constant 0x7F800000 : f32
    %broadcast_in_dim3A_332 = vector.broadcast %jit3A_331 : f32 to vector<256x2048xf32>
    %select_n3A_333 = arith.select %eq3A_330, %broadcast_in_dim3A_332, %select_n3A_310 : vector<256x2048xi1>, vector<256x2048xf32>
    %reduce_min3A_334 = arith.constant dense<0x7F800000> : vector<256xf32>
    %reduce_min3A_335 = vector.multi_reduction <minimumf>, %select_n3A_333, %reduce_min3A_334 [1] : vector<256x2048xf32> to vector<256xf32>
    %broadcast_in_dim3A_336 = vector.shape_cast %reduce_min3A_335 : vector<256xf32> to vector<256x1xf32>
    %le3A_337 = vector.broadcast %broadcast_in_dim3A_336 : vector<256x1xf32> to vector<256x2048xf32>
    %le3A_338 = arith.cmpf ole, %select_n3A_333, %le3A_337 : vector<256x2048xf32>
    %jit3A_339 = arith.constant 2048 : i32
    %broadcast_in_dim3A_340 = vector.broadcast %jit3A_339 : i32 to vector<256x2048xi32>
    %select_n3A_341 = arith.select %le3A_338, %iota3A, %broadcast_in_dim3A_340 : vector<256x2048xi1>, vector<256x2048xi32>
    %reduce_min3A_342 = arith.constant dense<2147483647> : vector<256xi32>
    %reduce_min3A_343 = vector.multi_reduction <minsi>, %select_n3A_341, %reduce_min3A_342 [1] : vector<256x2048xi32> to vector<256xi32>
    %broadcast_in_dim3A_344 = vector.shape_cast %reduce_min3A_343 : vector<256xi32> to vector<256x1xi32>
    %eq3A_345 = arith.constant 14 : i32
    %eq3A_346 = vector.broadcast %eq3A_345 : i32 to vector<256x16xi32>
    %eq3A_347 = arith.cmpi eq, %iota3A_15, %eq3A_346 : vector<256x16xi32>
    %convert_element_type3A_348 = arith.extui %eq3A_347 : vector<256x16xi1> to vector<256x16xi32>
    %mul3A_349 = vector.broadcast %broadcast_in_dim3A_344 : vector<256x1xi32> to vector<256x16xi32>
    %mul3A_350 = arith.muli %convert_element_type3A_348, %mul3A_349 : vector<256x16xi32>
    %add3A_351 = arith.addi %add3A_328, %mul3A_350 : vector<256x16xi32>
    %eq3A_352 = vector.broadcast %broadcast_in_dim3A_344 : vector<256x1xi32> to vector<256x2048xi32>
    %eq3A_353 = arith.cmpi eq, %iota3A, %eq3A_352 : vector<256x2048xi32>
    %jit3A_354 = arith.constant 0x7F800000 : f32
    %broadcast_in_dim3A_355 = vector.broadcast %jit3A_354 : f32 to vector<256x2048xf32>
    %select_n3A_356 = arith.select %eq3A_353, %broadcast_in_dim3A_355, %select_n3A_333 : vector<256x2048xi1>, vector<256x2048xf32>
    %reduce_min3A_357 = arith.constant dense<0x7F800000> : vector<256xf32>
    %reduce_min3A_358 = vector.multi_reduction <minimumf>, %select_n3A_356, %reduce_min3A_357 [1] : vector<256x2048xf32> to vector<256xf32>
    %broadcast_in_dim3A_359 = vector.shape_cast %reduce_min3A_358 : vector<256xf32> to vector<256x1xf32>
    %le3A_360 = vector.broadcast %broadcast_in_dim3A_359 : vector<256x1xf32> to vector<256x2048xf32>
    %le3A_361 = arith.cmpf ole, %select_n3A_356, %le3A_360 : vector<256x2048xf32>
    %jit3A_362 = arith.constant 2048 : i32
    %broadcast_in_dim3A_363 = vector.broadcast %jit3A_362 : i32 to vector<256x2048xi32>
    %select_n3A_364 = arith.select %le3A_361, %iota3A, %broadcast_in_dim3A_363 : vector<256x2048xi1>, vector<256x2048xi32>
    %reduce_min3A_365 = arith.constant dense<2147483647> : vector<256xi32>
    %reduce_min3A_366 = vector.multi_reduction <minsi>, %select_n3A_364, %reduce_min3A_365 [1] : vector<256x2048xi32> to vector<256xi32>
    %broadcast_in_dim3A_367 = vector.shape_cast %reduce_min3A_366 : vector<256xi32> to vector<256x1xi32>
    %eq3A_368 = arith.constant 15 : i32
    %eq3A_369 = vector.broadcast %eq3A_368 : i32 to vector<256x16xi32>
    %eq3A_370 = arith.cmpi eq, %iota3A_15, %eq3A_369 : vector<256x16xi32>
    %convert_element_type3A_371 = arith.extui %eq3A_370 : vector<256x16xi1> to vector<256x16xi32>
    %mul3A_372 = vector.broadcast %broadcast_in_dim3A_367 : vector<256x1xi32> to vector<256x16xi32>
    %mul3A_373 = arith.muli %convert_element_type3A_371, %mul3A_372 : vector<256x16xi32>
    %add3A_374 = arith.addi %add3A_351, %mul3A_373 : vector<256x16xi32>
    %swap3A = arith.constant 0 : index
    %swap3A_375 = arith.constant 0 : index
    %swap3A_376 = arith.constant 0 : index
    %swap3A_377 = vector.load %arg4[%swap3A, %swap3A_375, %swap3A_376] : memref<1x256x16xi32, #tpu.memory_space<vmem>>, vector<1x256x16xi32>
    %swap3A_378 = vector.shape_cast %swap3A_377 : vector<1x256x16xi32> to vector<256x16xi32>
    %swap3A_379 = vector.shape_cast %add3A_374 : vector<256x16xi32> to vector<1x256x16xi32>
    tpu.vector_store %arg4[%swap3A, %swap3A_375, %swap3A_376], %swap3A_379 {strides = array<i32>} : memref<1x256x16xi32, #tpu.memory_space<vmem>>, vector<1x256x16xi32>,
    return
  }
  func.func @transform_0(%arg0: i32, %arg1: i32) -> (i32, i32, i32) {
    %c0_i32 = arith.constant 0 : i32
    %c0_i32_0 = arith.constant 0 : i32
    return %arg0, %c0_i32, %arg1 : i32, i32, i32
  }
  func.func @transform_1(%arg0: i32, %arg1: i32) -> (i32, i32, i32) {
    %c0_i32 = arith.constant 0 : i32
    %c0_i32_0 = arith.constant 0 : i32
    %c0_i32_1 = arith.constant 0 : i32
    return %arg0, %c0_i32, %c0_i32_0 : i32, i32, i32
  }
  func.func @transform_2(%arg0: i32, %arg1: i32) -> (i32, i32, i32) {
    %c0_i32 = arith.constant 0 : i32
    %c0_i32_0 = arith.constant 0 : i32
    return %arg0, %arg1, %c0_i32 : i32, i32, i32
  }
}

module attributes {stable_mosaic.version = 14 : i64} {
  func.func @_fps_body(%arg0: memref<3x4x512xf32, #tpu.memory_space<vmem>>, %arg1: memref<4x128xi32, #tpu.memory_space<vmem>>) attributes {dimension_semantics = [], scalar_prefetch = 0 : i64, scratch_operands = 0 : i64, tpu.core_type = #tpu.core_type<tc>} {
    %get3A = arith.constant 0 : index
    %get3A_0 = arith.constant 0 : index
    %get3A_1 = arith.constant 0 : index
    %get3A_2 = vector.load %arg0[%get3A, %get3A_0, %get3A_1] : memref<3x4x512xf32, #tpu.memory_space<vmem>>, vector<1x4x512xf32>
    %get3A_3 = vector.shape_cast %get3A_2 : vector<1x4x512xf32> to vector<4x512xf32>
    %get3A_4 = arith.constant 1 : index
    %get3A_5 = arith.constant 0 : index
    %get3A_6 = arith.constant 0 : index
    %get3A_7 = vector.load %arg0[%get3A_4, %get3A_5, %get3A_6] : memref<3x4x512xf32, #tpu.memory_space<vmem>>, vector<1x4x512xf32>
    %get3A_8 = vector.shape_cast %get3A_7 : vector<1x4x512xf32> to vector<4x512xf32>
    %get3A_9 = arith.constant 2 : index
    %get3A_10 = arith.constant 0 : index
    %get3A_11 = arith.constant 0 : index
    %get3A_12 = vector.load %arg0[%get3A_9, %get3A_10, %get3A_11] : memref<3x4x512xf32, #tpu.memory_space<vmem>>, vector<1x4x512xf32>
    %get3A_13 = vector.shape_cast %get3A_12 : vector<1x4x512xf32> to vector<4x512xf32>
    %iota3A = tpu.iota {dimensions = array<i32: 1>} : vector<4x512xi32>
    %iota3A_14 = tpu.iota {dimensions = array<i32: 1>} : vector<4x128xi32>
    %iota3A_15 = tpu.iota {dimensions = array<i32: 0>} : vector<4x128xi32>
    %add3A = arith.addi %iota3A_14, %iota3A_15 : vector<4x128xi32>
    %mul3A = arith.constant 0 : i32
    %mul3A_16 = vector.broadcast %mul3A : i32 to vector<4x128xi32>
    %mul3A_17 = arith.muli %add3A, %mul3A_16 : vector<4x128xi32>
    %mul3A_18 = arith.constant 0.000000e+00 : f32
    %mul3A_19 = vector.broadcast %mul3A_18 : f32 to vector<4x512xf32>
    %mul3A_20 = arith.mulf %get3A_3, %mul3A_19 : vector<4x512xf32>
    %add3A_21 = arith.constant 1.000000e+10 : f32
    %add3A_22 = vector.broadcast %add3A_21 : f32 to vector<4x512xf32>
    %add3A_23 = arith.addf %mul3A_20, %add3A_22 : vector<4x512xf32>
    %mul3A_24 = arith.constant 0.000000e+00 : f32
    %mul3A_25 = vector.broadcast %mul3A_24 : f32 to vector<4x512xf32>
    %mul3A_26 = arith.mulf %get3A_3, %mul3A_25 : vector<4x512xf32>
    %reduce_min3A = arith.constant dense<0x7F800000> : vector<4xf32>
    %reduce_min3A_27 = vector.multi_reduction <minimumf>, %mul3A_26, %reduce_min3A [1] : vector<4x512xf32> to vector<4xf32>
    %broadcast_in_dim3A = vector.shape_cast %reduce_min3A_27 : vector<4xf32> to vector<4x1xf32>
    %convert_element_type3A = arith.fptosi %broadcast_in_dim3A : vector<4x1xf32> to vector<4x1xi32>
    %scan3A = arith.constant 0 : i32
    %scan3A_28 = arith.constant 128 : i32
    %scan3A_29 = arith.addi %scan3A, %scan3A_28 : i32
    %scan3A_30 = arith.constant 1 : i32
    %scan3A_31:3 = scf.for %scan3A_35 = %scan3A to %scan3A_29 step %scan3A_30 iter_args(%scan3A_36 = %mul3A_17, %scan3A_37 = %add3A_23, %scan3A_38 = %convert_element_type3A) -> (vector<4x128xi32>, vector<4x512xf32>, vector<4x1xi32>)  : i32 {
      %eq3A = vector.broadcast %scan3A_35 : i32 to vector<4x128xi32>
      %eq3A_39 = arith.cmpi eq, %iota3A_14, %eq3A : vector<4x128xi32>
      %convert_element_type3A_40 = arith.extui %eq3A_39 : vector<4x128xi1> to vector<4x128xi32>
      %mul3A_41 = vector.broadcast %scan3A_38 : vector<4x1xi32> to vector<4x128xi32>
      %mul3A_42 = arith.muli %convert_element_type3A_40, %mul3A_41 : vector<4x128xi32>
      %add3A_43 = arith.addi %scan3A_36, %mul3A_42 : vector<4x128xi32>
      %eq3A_44 = vector.broadcast %scan3A_38 : vector<4x1xi32> to vector<4x512xi32>
      %eq3A_45 = arith.cmpi eq, %iota3A, %eq3A_44 : vector<4x512xi32>
      %jit3A = arith.constant 0.000000e+00 : f32
      %broadcast_in_dim3A_46 = vector.broadcast %jit3A : f32 to vector<4x512xf32>
      %select_n3A = arith.select %eq3A_45, %get3A_3, %broadcast_in_dim3A_46 : vector<4x512xi1>, vector<4x512xf32>
      %reduce_sum3A = arith.constant dense<0.000000e+00> : vector<4xf32>
      %reduce_sum3A_47 = vector.multi_reduction <add>, %select_n3A, %reduce_sum3A [1] : vector<4x512xf32> to vector<4xf32>
      %broadcast_in_dim3A_48 = vector.shape_cast %reduce_sum3A_47 : vector<4xf32> to vector<4x1xf32>
      %jit3A_49 = arith.constant 0.000000e+00 : f32
      %broadcast_in_dim3A_50 = vector.broadcast %jit3A_49 : f32 to vector<4x512xf32>
      %select_n3A_51 = arith.select %eq3A_45, %get3A_8, %broadcast_in_dim3A_50 : vector<4x512xi1>, vector<4x512xf32>
      %reduce_sum3A_52 = arith.constant dense<0.000000e+00> : vector<4xf32>
      %reduce_sum3A_53 = vector.multi_reduction <add>, %select_n3A_51, %reduce_sum3A_52 [1] : vector<4x512xf32> to vector<4xf32>
      %broadcast_in_dim3A_54 = vector.shape_cast %reduce_sum3A_53 : vector<4xf32> to vector<4x1xf32>
      %jit3A_55 = arith.constant 0.000000e+00 : f32
      %broadcast_in_dim3A_56 = vector.broadcast %jit3A_55 : f32 to vector<4x512xf32>
      %select_n3A_57 = arith.select %eq3A_45, %get3A_13, %broadcast_in_dim3A_56 : vector<4x512xi1>, vector<4x512xf32>
      %reduce_sum3A_58 = arith.constant dense<0.000000e+00> : vector<4xf32>
      %reduce_sum3A_59 = vector.multi_reduction <add>, %select_n3A_57, %reduce_sum3A_58 [1] : vector<4x512xf32> to vector<4xf32>
      %broadcast_in_dim3A_60 = vector.shape_cast %reduce_sum3A_59 : vector<4xf32> to vector<4x1xf32>
      %sub3A = vector.broadcast %broadcast_in_dim3A_48 : vector<4x1xf32> to vector<4x512xf32>
      %sub3A_61 = arith.subf %get3A_3, %sub3A : vector<4x512xf32>
      %sub3A_62 = vector.broadcast %broadcast_in_dim3A_54 : vector<4x1xf32> to vector<4x512xf32>
      %sub3A_63 = arith.subf %get3A_8, %sub3A_62 : vector<4x512xf32>
      %sub3A_64 = vector.broadcast %broadcast_in_dim3A_60 : vector<4x1xf32> to vector<4x512xf32>
      %sub3A_65 = arith.subf %get3A_13, %sub3A_64 : vector<4x512xf32>
      %mul3A_66 = arith.mulf %sub3A_61, %sub3A_61 : vector<4x512xf32>
      %mul3A_67 = arith.mulf %sub3A_63, %sub3A_63 : vector<4x512xf32>
      %add3A_68 = arith.addf %mul3A_66, %mul3A_67 : vector<4x512xf32>
      %mul3A_69 = arith.mulf %sub3A_65, %sub3A_65 : vector<4x512xf32>
      %add3A_70 = arith.addf %add3A_68, %mul3A_69 : vector<4x512xf32>
      %min3A = arith.minimumf %scan3A_37, %add3A_70 : vector<4x512xf32>
      %reduce_max3A = arith.constant dense<0xFF800000> : vector<4xf32>
      %reduce_max3A_71 = vector.multi_reduction <maximumf>, %min3A, %reduce_max3A [1] : vector<4x512xf32> to vector<4xf32>
      %broadcast_in_dim3A_72 = vector.shape_cast %reduce_max3A_71 : vector<4xf32> to vector<4x1xf32>
      %eq3A_73 = vector.broadcast %broadcast_in_dim3A_72 : vector<4x1xf32> to vector<4x512xf32>
      %eq3A_74 = arith.cmpf oeq, %min3A, %eq3A_73 : vector<4x512xf32>
      %jit3A_75 = arith.constant 512 : i32
      %broadcast_in_dim3A_76 = vector.broadcast %jit3A_75 : i32 to vector<4x512xi32>
      %select_n3A_77 = arith.select %eq3A_74, %iota3A, %broadcast_in_dim3A_76 : vector<4x512xi1>, vector<4x512xi32>
      %reduce_min3A_78 = arith.constant dense<2147483647> : vector<4xi32>
      %reduce_min3A_79 = vector.multi_reduction <minsi>, %select_n3A_77, %reduce_min3A_78 [1] : vector<4x512xi32> to vector<4xi32>
      %broadcast_in_dim3A_80 = vector.shape_cast %reduce_min3A_79 : vector<4xi32> to vector<4x1xi32>
      scf.yield %add3A_43, %min3A, %broadcast_in_dim3A_80 : vector<4x128xi32>, vector<4x512xf32>, vector<4x1xi32>
    }
    %scan3A_32 = arith.constant 128 : i32
    %swap3A = arith.constant 0 : index
    %swap3A_33 = arith.constant 0 : index
    %swap3A_34 = vector.load %arg1[%swap3A, %swap3A_33] : memref<4x128xi32, #tpu.memory_space<vmem>>, vector<4x128xi32>
    tpu.vector_store %arg1[%swap3A, %swap3A_33], %scan3A_31#0 {strides = array<i32>} : memref<4x128xi32, #tpu.memory_space<vmem>>, vector<4x128xi32>,
    return
  }
}

module attributes {stable_mosaic.version = 14 : i64} {
  func.func @_knn_body(%arg0: i32, %arg1: i32, %arg2: memref<1x3x128xf32, #tpu.memory_space<vmem>>, %arg3: memref<1x3x512xf32, #tpu.memory_space<vmem>>, %arg4: memref<1x128x16xi32, #tpu.memory_space<vmem>>) attributes {dimension_semantics = [#tpu.dimension_semantics<arbitrary>, #tpu.dimension_semantics<arbitrary>], iteration_bounds = array<i64: 4, 1>, scalar_prefetch = 0 : i64, scratch_operands = 0 : i64, tpu.core_type = #tpu.core_type<tc>, window_params = [{transform_indices = @transform_0, window_bounds = array<i64: 1, 3, 128>}, {transform_indices = @transform_1, window_bounds = array<i64: 1, 3, 512>}, {transform_indices = @transform_2, window_bounds = array<i64: 1, 128, 16>}]} {
    %get3A = arith.constant 0 : index
    %get3A_0 = arith.constant 0 : index
    %get3A_1 = arith.constant 0 : index
    %get3A_2 = vector.load %arg2[%get3A, %get3A_0, %get3A_1] : memref<1x3x128xf32, #tpu.memory_space<vmem>>, vector<1x3x128xf32>
    %get3A_3 = vector.shape_cast %get3A_2 : vector<1x3x128xf32> to vector<3x128xf32>
    %get3A_4 = arith.constant 0 : index
    %get3A_5 = arith.constant 0 : index
    %get3A_6 = arith.constant 0 : index
    %get3A_7 = vector.load %arg3[%get3A_4, %get3A_5, %get3A_6] : memref<1x3x512xf32, #tpu.memory_space<vmem>>, vector<1x3x512xf32>
    %get3A_8 = vector.shape_cast %get3A_7 : vector<1x3x512xf32> to vector<3x512xf32>
    %mul3A = arith.mulf %get3A_8, %get3A_8 : vector<3x512xf32>
    %reduce_sum3A = arith.constant dense<0.000000e+00> : vector<512xf32>
    %reduce_sum3A_9 = vector.multi_reduction <add>, %mul3A, %reduce_sum3A [0] : vector<3x512xf32> to vector<512xf32>
    %broadcast_in_dim3A = vector.shape_cast %reduce_sum3A_9 : vector<512xf32> to vector<1x512xf32>
    %dot_general3A = arith.constant dense<0.000000e+00> : vector<128x512xf32>
    %dot_general3A_10 = tpu.matmul %get3A_3, %get3A_8, %dot_general3A {dimension_numbers = #tpu.dot_dimension_numbers<[0], [0], [1], [1], [0, 1, 1, 1], [], []>, transpose_lhs_hint = false} : vector<3x128xf32>, vector<3x512xf32>, vector<128x512xf32> -> vector<128x512xf32>
    %mul3A_11 = arith.constant 2.000000e+00 : f32
    %mul3A_12 = vector.broadcast %mul3A_11 : f32 to vector<128x512xf32>
    %mul3A_13 = arith.mulf %mul3A_12, %dot_general3A_10 : vector<128x512xf32>
    %sub3A = vector.broadcast %broadcast_in_dim3A : vector<1x512xf32> to vector<128x512xf32>
    %sub3A_14 = arith.subf %sub3A, %mul3A_13 : vector<128x512xf32>
    %iota3A = tpu.iota {dimensions = array<i32: 1>} : vector<128x512xi32>
    %iota3A_15 = tpu.iota {dimensions = array<i32: 1>} : vector<128x16xi32>
    %mul3A_16 = arith.constant 0 : i32
    %mul3A_17 = vector.broadcast %mul3A_16 : i32 to vector<128x16xi32>
    %mul3A_18 = arith.muli %iota3A_15, %mul3A_17 : vector<128x16xi32>
    %reduce_min3A = arith.constant dense<0x7F800000> : vector<128xf32>
    %reduce_min3A_19 = vector.multi_reduction <minimumf>, %sub3A_14, %reduce_min3A [1] : vector<128x512xf32> to vector<128xf32>
    %broadcast_in_dim3A_20 = vector.shape_cast %reduce_min3A_19 : vector<128xf32> to vector<128x1xf32>
    %le3A = vector.broadcast %broadcast_in_dim3A_20 : vector<128x1xf32> to vector<128x512xf32>
    %le3A_21 = arith.cmpf ole, %sub3A_14, %le3A : vector<128x512xf32>
    %jit3A = arith.constant 512 : i32
    %broadcast_in_dim3A_22 = vector.broadcast %jit3A : i32 to vector<128x512xi32>
    %select_n3A = arith.select %le3A_21, %iota3A, %broadcast_in_dim3A_22 : vector<128x512xi1>, vector<128x512xi32>
    %reduce_min3A_23 = arith.constant dense<2147483647> : vector<128xi32>
    %reduce_min3A_24 = vector.multi_reduction <minsi>, %select_n3A, %reduce_min3A_23 [1] : vector<128x512xi32> to vector<128xi32>
    %broadcast_in_dim3A_25 = vector.shape_cast %reduce_min3A_24 : vector<128xi32> to vector<128x1xi32>
    %eq3A = arith.constant 0 : i32
    %eq3A_26 = vector.broadcast %eq3A : i32 to vector<128x16xi32>
    %eq3A_27 = arith.cmpi eq, %iota3A_15, %eq3A_26 : vector<128x16xi32>
    %convert_element_type3A = arith.extui %eq3A_27 : vector<128x16xi1> to vector<128x16xi32>
    %mul3A_28 = vector.broadcast %broadcast_in_dim3A_25 : vector<128x1xi32> to vector<128x16xi32>
    %mul3A_29 = arith.muli %convert_element_type3A, %mul3A_28 : vector<128x16xi32>
    %add3A = arith.addi %mul3A_18, %mul3A_29 : vector<128x16xi32>
    %eq3A_30 = vector.broadcast %broadcast_in_dim3A_25 : vector<128x1xi32> to vector<128x512xi32>
    %eq3A_31 = arith.cmpi eq, %iota3A, %eq3A_30 : vector<128x512xi32>
    %jit3A_32 = arith.constant 0x7F800000 : f32
    %broadcast_in_dim3A_33 = vector.broadcast %jit3A_32 : f32 to vector<128x512xf32>
    %select_n3A_34 = arith.select %eq3A_31, %broadcast_in_dim3A_33, %sub3A_14 : vector<128x512xi1>, vector<128x512xf32>
    %reduce_min3A_35 = arith.constant dense<0x7F800000> : vector<128xf32>
    %reduce_min3A_36 = vector.multi_reduction <minimumf>, %select_n3A_34, %reduce_min3A_35 [1] : vector<128x512xf32> to vector<128xf32>
    %broadcast_in_dim3A_37 = vector.shape_cast %reduce_min3A_36 : vector<128xf32> to vector<128x1xf32>
    %le3A_38 = vector.broadcast %broadcast_in_dim3A_37 : vector<128x1xf32> to vector<128x512xf32>
    %le3A_39 = arith.cmpf ole, %select_n3A_34, %le3A_38 : vector<128x512xf32>
    %jit3A_40 = arith.constant 512 : i32
    %broadcast_in_dim3A_41 = vector.broadcast %jit3A_40 : i32 to vector<128x512xi32>
    %select_n3A_42 = arith.select %le3A_39, %iota3A, %broadcast_in_dim3A_41 : vector<128x512xi1>, vector<128x512xi32>
    %reduce_min3A_43 = arith.constant dense<2147483647> : vector<128xi32>
    %reduce_min3A_44 = vector.multi_reduction <minsi>, %select_n3A_42, %reduce_min3A_43 [1] : vector<128x512xi32> to vector<128xi32>
    %broadcast_in_dim3A_45 = vector.shape_cast %reduce_min3A_44 : vector<128xi32> to vector<128x1xi32>
    %eq3A_46 = arith.constant 1 : i32
    %eq3A_47 = vector.broadcast %eq3A_46 : i32 to vector<128x16xi32>
    %eq3A_48 = arith.cmpi eq, %iota3A_15, %eq3A_47 : vector<128x16xi32>
    %convert_element_type3A_49 = arith.extui %eq3A_48 : vector<128x16xi1> to vector<128x16xi32>
    %mul3A_50 = vector.broadcast %broadcast_in_dim3A_45 : vector<128x1xi32> to vector<128x16xi32>
    %mul3A_51 = arith.muli %convert_element_type3A_49, %mul3A_50 : vector<128x16xi32>
    %add3A_52 = arith.addi %add3A, %mul3A_51 : vector<128x16xi32>
    %eq3A_53 = vector.broadcast %broadcast_in_dim3A_45 : vector<128x1xi32> to vector<128x512xi32>
    %eq3A_54 = arith.cmpi eq, %iota3A, %eq3A_53 : vector<128x512xi32>
    %jit3A_55 = arith.constant 0x7F800000 : f32
    %broadcast_in_dim3A_56 = vector.broadcast %jit3A_55 : f32 to vector<128x512xf32>
    %select_n3A_57 = arith.select %eq3A_54, %broadcast_in_dim3A_56, %select_n3A_34 : vector<128x512xi1>, vector<128x512xf32>
    %reduce_min3A_58 = arith.constant dense<0x7F800000> : vector<128xf32>
    %reduce_min3A_59 = vector.multi_reduction <minimumf>, %select_n3A_57, %reduce_min3A_58 [1] : vector<128x512xf32> to vector<128xf32>
    %broadcast_in_dim3A_60 = vector.shape_cast %reduce_min3A_59 : vector<128xf32> to vector<128x1xf32>
    %le3A_61 = vector.broadcast %broadcast_in_dim3A_60 : vector<128x1xf32> to vector<128x512xf32>
    %le3A_62 = arith.cmpf ole, %select_n3A_57, %le3A_61 : vector<128x512xf32>
    %jit3A_63 = arith.constant 512 : i32
    %broadcast_in_dim3A_64 = vector.broadcast %jit3A_63 : i32 to vector<128x512xi32>
    %select_n3A_65 = arith.select %le3A_62, %iota3A, %broadcast_in_dim3A_64 : vector<128x512xi1>, vector<128x512xi32>
    %reduce_min3A_66 = arith.constant dense<2147483647> : vector<128xi32>
    %reduce_min3A_67 = vector.multi_reduction <minsi>, %select_n3A_65, %reduce_min3A_66 [1] : vector<128x512xi32> to vector<128xi32>
    %broadcast_in_dim3A_68 = vector.shape_cast %reduce_min3A_67 : vector<128xi32> to vector<128x1xi32>
    %eq3A_69 = arith.constant 2 : i32
    %eq3A_70 = vector.broadcast %eq3A_69 : i32 to vector<128x16xi32>
    %eq3A_71 = arith.cmpi eq, %iota3A_15, %eq3A_70 : vector<128x16xi32>
    %convert_element_type3A_72 = arith.extui %eq3A_71 : vector<128x16xi1> to vector<128x16xi32>
    %mul3A_73 = vector.broadcast %broadcast_in_dim3A_68 : vector<128x1xi32> to vector<128x16xi32>
    %mul3A_74 = arith.muli %convert_element_type3A_72, %mul3A_73 : vector<128x16xi32>
    %add3A_75 = arith.addi %add3A_52, %mul3A_74 : vector<128x16xi32>
    %eq3A_76 = vector.broadcast %broadcast_in_dim3A_68 : vector<128x1xi32> to vector<128x512xi32>
    %eq3A_77 = arith.cmpi eq, %iota3A, %eq3A_76 : vector<128x512xi32>
    %jit3A_78 = arith.constant 0x7F800000 : f32
    %broadcast_in_dim3A_79 = vector.broadcast %jit3A_78 : f32 to vector<128x512xf32>
    %select_n3A_80 = arith.select %eq3A_77, %broadcast_in_dim3A_79, %select_n3A_57 : vector<128x512xi1>, vector<128x512xf32>
    %reduce_min3A_81 = arith.constant dense<0x7F800000> : vector<128xf32>
    %reduce_min3A_82 = vector.multi_reduction <minimumf>, %select_n3A_80, %reduce_min3A_81 [1] : vector<128x512xf32> to vector<128xf32>
    %broadcast_in_dim3A_83 = vector.shape_cast %reduce_min3A_82 : vector<128xf32> to vector<128x1xf32>
    %le3A_84 = vector.broadcast %broadcast_in_dim3A_83 : vector<128x1xf32> to vector<128x512xf32>
    %le3A_85 = arith.cmpf ole, %select_n3A_80, %le3A_84 : vector<128x512xf32>
    %jit3A_86 = arith.constant 512 : i32
    %broadcast_in_dim3A_87 = vector.broadcast %jit3A_86 : i32 to vector<128x512xi32>
    %select_n3A_88 = arith.select %le3A_85, %iota3A, %broadcast_in_dim3A_87 : vector<128x512xi1>, vector<128x512xi32>
    %reduce_min3A_89 = arith.constant dense<2147483647> : vector<128xi32>
    %reduce_min3A_90 = vector.multi_reduction <minsi>, %select_n3A_88, %reduce_min3A_89 [1] : vector<128x512xi32> to vector<128xi32>
    %broadcast_in_dim3A_91 = vector.shape_cast %reduce_min3A_90 : vector<128xi32> to vector<128x1xi32>
    %eq3A_92 = arith.constant 3 : i32
    %eq3A_93 = vector.broadcast %eq3A_92 : i32 to vector<128x16xi32>
    %eq3A_94 = arith.cmpi eq, %iota3A_15, %eq3A_93 : vector<128x16xi32>
    %convert_element_type3A_95 = arith.extui %eq3A_94 : vector<128x16xi1> to vector<128x16xi32>
    %mul3A_96 = vector.broadcast %broadcast_in_dim3A_91 : vector<128x1xi32> to vector<128x16xi32>
    %mul3A_97 = arith.muli %convert_element_type3A_95, %mul3A_96 : vector<128x16xi32>
    %add3A_98 = arith.addi %add3A_75, %mul3A_97 : vector<128x16xi32>
    %eq3A_99 = vector.broadcast %broadcast_in_dim3A_91 : vector<128x1xi32> to vector<128x512xi32>
    %eq3A_100 = arith.cmpi eq, %iota3A, %eq3A_99 : vector<128x512xi32>
    %jit3A_101 = arith.constant 0x7F800000 : f32
    %broadcast_in_dim3A_102 = vector.broadcast %jit3A_101 : f32 to vector<128x512xf32>
    %select_n3A_103 = arith.select %eq3A_100, %broadcast_in_dim3A_102, %select_n3A_80 : vector<128x512xi1>, vector<128x512xf32>
    %reduce_min3A_104 = arith.constant dense<0x7F800000> : vector<128xf32>
    %reduce_min3A_105 = vector.multi_reduction <minimumf>, %select_n3A_103, %reduce_min3A_104 [1] : vector<128x512xf32> to vector<128xf32>
    %broadcast_in_dim3A_106 = vector.shape_cast %reduce_min3A_105 : vector<128xf32> to vector<128x1xf32>
    %le3A_107 = vector.broadcast %broadcast_in_dim3A_106 : vector<128x1xf32> to vector<128x512xf32>
    %le3A_108 = arith.cmpf ole, %select_n3A_103, %le3A_107 : vector<128x512xf32>
    %jit3A_109 = arith.constant 512 : i32
    %broadcast_in_dim3A_110 = vector.broadcast %jit3A_109 : i32 to vector<128x512xi32>
    %select_n3A_111 = arith.select %le3A_108, %iota3A, %broadcast_in_dim3A_110 : vector<128x512xi1>, vector<128x512xi32>
    %reduce_min3A_112 = arith.constant dense<2147483647> : vector<128xi32>
    %reduce_min3A_113 = vector.multi_reduction <minsi>, %select_n3A_111, %reduce_min3A_112 [1] : vector<128x512xi32> to vector<128xi32>
    %broadcast_in_dim3A_114 = vector.shape_cast %reduce_min3A_113 : vector<128xi32> to vector<128x1xi32>
    %eq3A_115 = arith.constant 4 : i32
    %eq3A_116 = vector.broadcast %eq3A_115 : i32 to vector<128x16xi32>
    %eq3A_117 = arith.cmpi eq, %iota3A_15, %eq3A_116 : vector<128x16xi32>
    %convert_element_type3A_118 = arith.extui %eq3A_117 : vector<128x16xi1> to vector<128x16xi32>
    %mul3A_119 = vector.broadcast %broadcast_in_dim3A_114 : vector<128x1xi32> to vector<128x16xi32>
    %mul3A_120 = arith.muli %convert_element_type3A_118, %mul3A_119 : vector<128x16xi32>
    %add3A_121 = arith.addi %add3A_98, %mul3A_120 : vector<128x16xi32>
    %eq3A_122 = vector.broadcast %broadcast_in_dim3A_114 : vector<128x1xi32> to vector<128x512xi32>
    %eq3A_123 = arith.cmpi eq, %iota3A, %eq3A_122 : vector<128x512xi32>
    %jit3A_124 = arith.constant 0x7F800000 : f32
    %broadcast_in_dim3A_125 = vector.broadcast %jit3A_124 : f32 to vector<128x512xf32>
    %select_n3A_126 = arith.select %eq3A_123, %broadcast_in_dim3A_125, %select_n3A_103 : vector<128x512xi1>, vector<128x512xf32>
    %reduce_min3A_127 = arith.constant dense<0x7F800000> : vector<128xf32>
    %reduce_min3A_128 = vector.multi_reduction <minimumf>, %select_n3A_126, %reduce_min3A_127 [1] : vector<128x512xf32> to vector<128xf32>
    %broadcast_in_dim3A_129 = vector.shape_cast %reduce_min3A_128 : vector<128xf32> to vector<128x1xf32>
    %le3A_130 = vector.broadcast %broadcast_in_dim3A_129 : vector<128x1xf32> to vector<128x512xf32>
    %le3A_131 = arith.cmpf ole, %select_n3A_126, %le3A_130 : vector<128x512xf32>
    %jit3A_132 = arith.constant 512 : i32
    %broadcast_in_dim3A_133 = vector.broadcast %jit3A_132 : i32 to vector<128x512xi32>
    %select_n3A_134 = arith.select %le3A_131, %iota3A, %broadcast_in_dim3A_133 : vector<128x512xi1>, vector<128x512xi32>
    %reduce_min3A_135 = arith.constant dense<2147483647> : vector<128xi32>
    %reduce_min3A_136 = vector.multi_reduction <minsi>, %select_n3A_134, %reduce_min3A_135 [1] : vector<128x512xi32> to vector<128xi32>
    %broadcast_in_dim3A_137 = vector.shape_cast %reduce_min3A_136 : vector<128xi32> to vector<128x1xi32>
    %eq3A_138 = arith.constant 5 : i32
    %eq3A_139 = vector.broadcast %eq3A_138 : i32 to vector<128x16xi32>
    %eq3A_140 = arith.cmpi eq, %iota3A_15, %eq3A_139 : vector<128x16xi32>
    %convert_element_type3A_141 = arith.extui %eq3A_140 : vector<128x16xi1> to vector<128x16xi32>
    %mul3A_142 = vector.broadcast %broadcast_in_dim3A_137 : vector<128x1xi32> to vector<128x16xi32>
    %mul3A_143 = arith.muli %convert_element_type3A_141, %mul3A_142 : vector<128x16xi32>
    %add3A_144 = arith.addi %add3A_121, %mul3A_143 : vector<128x16xi32>
    %eq3A_145 = vector.broadcast %broadcast_in_dim3A_137 : vector<128x1xi32> to vector<128x512xi32>
    %eq3A_146 = arith.cmpi eq, %iota3A, %eq3A_145 : vector<128x512xi32>
    %jit3A_147 = arith.constant 0x7F800000 : f32
    %broadcast_in_dim3A_148 = vector.broadcast %jit3A_147 : f32 to vector<128x512xf32>
    %select_n3A_149 = arith.select %eq3A_146, %broadcast_in_dim3A_148, %select_n3A_126 : vector<128x512xi1>, vector<128x512xf32>
    %reduce_min3A_150 = arith.constant dense<0x7F800000> : vector<128xf32>
    %reduce_min3A_151 = vector.multi_reduction <minimumf>, %select_n3A_149, %reduce_min3A_150 [1] : vector<128x512xf32> to vector<128xf32>
    %broadcast_in_dim3A_152 = vector.shape_cast %reduce_min3A_151 : vector<128xf32> to vector<128x1xf32>
    %le3A_153 = vector.broadcast %broadcast_in_dim3A_152 : vector<128x1xf32> to vector<128x512xf32>
    %le3A_154 = arith.cmpf ole, %select_n3A_149, %le3A_153 : vector<128x512xf32>
    %jit3A_155 = arith.constant 512 : i32
    %broadcast_in_dim3A_156 = vector.broadcast %jit3A_155 : i32 to vector<128x512xi32>
    %select_n3A_157 = arith.select %le3A_154, %iota3A, %broadcast_in_dim3A_156 : vector<128x512xi1>, vector<128x512xi32>
    %reduce_min3A_158 = arith.constant dense<2147483647> : vector<128xi32>
    %reduce_min3A_159 = vector.multi_reduction <minsi>, %select_n3A_157, %reduce_min3A_158 [1] : vector<128x512xi32> to vector<128xi32>
    %broadcast_in_dim3A_160 = vector.shape_cast %reduce_min3A_159 : vector<128xi32> to vector<128x1xi32>
    %eq3A_161 = arith.constant 6 : i32
    %eq3A_162 = vector.broadcast %eq3A_161 : i32 to vector<128x16xi32>
    %eq3A_163 = arith.cmpi eq, %iota3A_15, %eq3A_162 : vector<128x16xi32>
    %convert_element_type3A_164 = arith.extui %eq3A_163 : vector<128x16xi1> to vector<128x16xi32>
    %mul3A_165 = vector.broadcast %broadcast_in_dim3A_160 : vector<128x1xi32> to vector<128x16xi32>
    %mul3A_166 = arith.muli %convert_element_type3A_164, %mul3A_165 : vector<128x16xi32>
    %add3A_167 = arith.addi %add3A_144, %mul3A_166 : vector<128x16xi32>
    %eq3A_168 = vector.broadcast %broadcast_in_dim3A_160 : vector<128x1xi32> to vector<128x512xi32>
    %eq3A_169 = arith.cmpi eq, %iota3A, %eq3A_168 : vector<128x512xi32>
    %jit3A_170 = arith.constant 0x7F800000 : f32
    %broadcast_in_dim3A_171 = vector.broadcast %jit3A_170 : f32 to vector<128x512xf32>
    %select_n3A_172 = arith.select %eq3A_169, %broadcast_in_dim3A_171, %select_n3A_149 : vector<128x512xi1>, vector<128x512xf32>
    %reduce_min3A_173 = arith.constant dense<0x7F800000> : vector<128xf32>
    %reduce_min3A_174 = vector.multi_reduction <minimumf>, %select_n3A_172, %reduce_min3A_173 [1] : vector<128x512xf32> to vector<128xf32>
    %broadcast_in_dim3A_175 = vector.shape_cast %reduce_min3A_174 : vector<128xf32> to vector<128x1xf32>
    %le3A_176 = vector.broadcast %broadcast_in_dim3A_175 : vector<128x1xf32> to vector<128x512xf32>
    %le3A_177 = arith.cmpf ole, %select_n3A_172, %le3A_176 : vector<128x512xf32>
    %jit3A_178 = arith.constant 512 : i32
    %broadcast_in_dim3A_179 = vector.broadcast %jit3A_178 : i32 to vector<128x512xi32>
    %select_n3A_180 = arith.select %le3A_177, %iota3A, %broadcast_in_dim3A_179 : vector<128x512xi1>, vector<128x512xi32>
    %reduce_min3A_181 = arith.constant dense<2147483647> : vector<128xi32>
    %reduce_min3A_182 = vector.multi_reduction <minsi>, %select_n3A_180, %reduce_min3A_181 [1] : vector<128x512xi32> to vector<128xi32>
    %broadcast_in_dim3A_183 = vector.shape_cast %reduce_min3A_182 : vector<128xi32> to vector<128x1xi32>
    %eq3A_184 = arith.constant 7 : i32
    %eq3A_185 = vector.broadcast %eq3A_184 : i32 to vector<128x16xi32>
    %eq3A_186 = arith.cmpi eq, %iota3A_15, %eq3A_185 : vector<128x16xi32>
    %convert_element_type3A_187 = arith.extui %eq3A_186 : vector<128x16xi1> to vector<128x16xi32>
    %mul3A_188 = vector.broadcast %broadcast_in_dim3A_183 : vector<128x1xi32> to vector<128x16xi32>
    %mul3A_189 = arith.muli %convert_element_type3A_187, %mul3A_188 : vector<128x16xi32>
    %add3A_190 = arith.addi %add3A_167, %mul3A_189 : vector<128x16xi32>
    %eq3A_191 = vector.broadcast %broadcast_in_dim3A_183 : vector<128x1xi32> to vector<128x512xi32>
    %eq3A_192 = arith.cmpi eq, %iota3A, %eq3A_191 : vector<128x512xi32>
    %jit3A_193 = arith.constant 0x7F800000 : f32
    %broadcast_in_dim3A_194 = vector.broadcast %jit3A_193 : f32 to vector<128x512xf32>
    %select_n3A_195 = arith.select %eq3A_192, %broadcast_in_dim3A_194, %select_n3A_172 : vector<128x512xi1>, vector<128x512xf32>
    %reduce_min3A_196 = arith.constant dense<0x7F800000> : vector<128xf32>
    %reduce_min3A_197 = vector.multi_reduction <minimumf>, %select_n3A_195, %reduce_min3A_196 [1] : vector<128x512xf32> to vector<128xf32>
    %broadcast_in_dim3A_198 = vector.shape_cast %reduce_min3A_197 : vector<128xf32> to vector<128x1xf32>
    %le3A_199 = vector.broadcast %broadcast_in_dim3A_198 : vector<128x1xf32> to vector<128x512xf32>
    %le3A_200 = arith.cmpf ole, %select_n3A_195, %le3A_199 : vector<128x512xf32>
    %jit3A_201 = arith.constant 512 : i32
    %broadcast_in_dim3A_202 = vector.broadcast %jit3A_201 : i32 to vector<128x512xi32>
    %select_n3A_203 = arith.select %le3A_200, %iota3A, %broadcast_in_dim3A_202 : vector<128x512xi1>, vector<128x512xi32>
    %reduce_min3A_204 = arith.constant dense<2147483647> : vector<128xi32>
    %reduce_min3A_205 = vector.multi_reduction <minsi>, %select_n3A_203, %reduce_min3A_204 [1] : vector<128x512xi32> to vector<128xi32>
    %broadcast_in_dim3A_206 = vector.shape_cast %reduce_min3A_205 : vector<128xi32> to vector<128x1xi32>
    %eq3A_207 = arith.constant 8 : i32
    %eq3A_208 = vector.broadcast %eq3A_207 : i32 to vector<128x16xi32>
    %eq3A_209 = arith.cmpi eq, %iota3A_15, %eq3A_208 : vector<128x16xi32>
    %convert_element_type3A_210 = arith.extui %eq3A_209 : vector<128x16xi1> to vector<128x16xi32>
    %mul3A_211 = vector.broadcast %broadcast_in_dim3A_206 : vector<128x1xi32> to vector<128x16xi32>
    %mul3A_212 = arith.muli %convert_element_type3A_210, %mul3A_211 : vector<128x16xi32>
    %add3A_213 = arith.addi %add3A_190, %mul3A_212 : vector<128x16xi32>
    %eq3A_214 = vector.broadcast %broadcast_in_dim3A_206 : vector<128x1xi32> to vector<128x512xi32>
    %eq3A_215 = arith.cmpi eq, %iota3A, %eq3A_214 : vector<128x512xi32>
    %jit3A_216 = arith.constant 0x7F800000 : f32
    %broadcast_in_dim3A_217 = vector.broadcast %jit3A_216 : f32 to vector<128x512xf32>
    %select_n3A_218 = arith.select %eq3A_215, %broadcast_in_dim3A_217, %select_n3A_195 : vector<128x512xi1>, vector<128x512xf32>
    %reduce_min3A_219 = arith.constant dense<0x7F800000> : vector<128xf32>
    %reduce_min3A_220 = vector.multi_reduction <minimumf>, %select_n3A_218, %reduce_min3A_219 [1] : vector<128x512xf32> to vector<128xf32>
    %broadcast_in_dim3A_221 = vector.shape_cast %reduce_min3A_220 : vector<128xf32> to vector<128x1xf32>
    %le3A_222 = vector.broadcast %broadcast_in_dim3A_221 : vector<128x1xf32> to vector<128x512xf32>
    %le3A_223 = arith.cmpf ole, %select_n3A_218, %le3A_222 : vector<128x512xf32>
    %jit3A_224 = arith.constant 512 : i32
    %broadcast_in_dim3A_225 = vector.broadcast %jit3A_224 : i32 to vector<128x512xi32>
    %select_n3A_226 = arith.select %le3A_223, %iota3A, %broadcast_in_dim3A_225 : vector<128x512xi1>, vector<128x512xi32>
    %reduce_min3A_227 = arith.constant dense<2147483647> : vector<128xi32>
    %reduce_min3A_228 = vector.multi_reduction <minsi>, %select_n3A_226, %reduce_min3A_227 [1] : vector<128x512xi32> to vector<128xi32>
    %broadcast_in_dim3A_229 = vector.shape_cast %reduce_min3A_228 : vector<128xi32> to vector<128x1xi32>
    %eq3A_230 = arith.constant 9 : i32
    %eq3A_231 = vector.broadcast %eq3A_230 : i32 to vector<128x16xi32>
    %eq3A_232 = arith.cmpi eq, %iota3A_15, %eq3A_231 : vector<128x16xi32>
    %convert_element_type3A_233 = arith.extui %eq3A_232 : vector<128x16xi1> to vector<128x16xi32>
    %mul3A_234 = vector.broadcast %broadcast_in_dim3A_229 : vector<128x1xi32> to vector<128x16xi32>
    %mul3A_235 = arith.muli %convert_element_type3A_233, %mul3A_234 : vector<128x16xi32>
    %add3A_236 = arith.addi %add3A_213, %mul3A_235 : vector<128x16xi32>
    %eq3A_237 = vector.broadcast %broadcast_in_dim3A_229 : vector<128x1xi32> to vector<128x512xi32>
    %eq3A_238 = arith.cmpi eq, %iota3A, %eq3A_237 : vector<128x512xi32>
    %jit3A_239 = arith.constant 0x7F800000 : f32
    %broadcast_in_dim3A_240 = vector.broadcast %jit3A_239 : f32 to vector<128x512xf32>
    %select_n3A_241 = arith.select %eq3A_238, %broadcast_in_dim3A_240, %select_n3A_218 : vector<128x512xi1>, vector<128x512xf32>
    %reduce_min3A_242 = arith.constant dense<0x7F800000> : vector<128xf32>
    %reduce_min3A_243 = vector.multi_reduction <minimumf>, %select_n3A_241, %reduce_min3A_242 [1] : vector<128x512xf32> to vector<128xf32>
    %broadcast_in_dim3A_244 = vector.shape_cast %reduce_min3A_243 : vector<128xf32> to vector<128x1xf32>
    %le3A_245 = vector.broadcast %broadcast_in_dim3A_244 : vector<128x1xf32> to vector<128x512xf32>
    %le3A_246 = arith.cmpf ole, %select_n3A_241, %le3A_245 : vector<128x512xf32>
    %jit3A_247 = arith.constant 512 : i32
    %broadcast_in_dim3A_248 = vector.broadcast %jit3A_247 : i32 to vector<128x512xi32>
    %select_n3A_249 = arith.select %le3A_246, %iota3A, %broadcast_in_dim3A_248 : vector<128x512xi1>, vector<128x512xi32>
    %reduce_min3A_250 = arith.constant dense<2147483647> : vector<128xi32>
    %reduce_min3A_251 = vector.multi_reduction <minsi>, %select_n3A_249, %reduce_min3A_250 [1] : vector<128x512xi32> to vector<128xi32>
    %broadcast_in_dim3A_252 = vector.shape_cast %reduce_min3A_251 : vector<128xi32> to vector<128x1xi32>
    %eq3A_253 = arith.constant 10 : i32
    %eq3A_254 = vector.broadcast %eq3A_253 : i32 to vector<128x16xi32>
    %eq3A_255 = arith.cmpi eq, %iota3A_15, %eq3A_254 : vector<128x16xi32>
    %convert_element_type3A_256 = arith.extui %eq3A_255 : vector<128x16xi1> to vector<128x16xi32>
    %mul3A_257 = vector.broadcast %broadcast_in_dim3A_252 : vector<128x1xi32> to vector<128x16xi32>
    %mul3A_258 = arith.muli %convert_element_type3A_256, %mul3A_257 : vector<128x16xi32>
    %add3A_259 = arith.addi %add3A_236, %mul3A_258 : vector<128x16xi32>
    %eq3A_260 = vector.broadcast %broadcast_in_dim3A_252 : vector<128x1xi32> to vector<128x512xi32>
    %eq3A_261 = arith.cmpi eq, %iota3A, %eq3A_260 : vector<128x512xi32>
    %jit3A_262 = arith.constant 0x7F800000 : f32
    %broadcast_in_dim3A_263 = vector.broadcast %jit3A_262 : f32 to vector<128x512xf32>
    %select_n3A_264 = arith.select %eq3A_261, %broadcast_in_dim3A_263, %select_n3A_241 : vector<128x512xi1>, vector<128x512xf32>
    %reduce_min3A_265 = arith.constant dense<0x7F800000> : vector<128xf32>
    %reduce_min3A_266 = vector.multi_reduction <minimumf>, %select_n3A_264, %reduce_min3A_265 [1] : vector<128x512xf32> to vector<128xf32>
    %broadcast_in_dim3A_267 = vector.shape_cast %reduce_min3A_266 : vector<128xf32> to vector<128x1xf32>
    %le3A_268 = vector.broadcast %broadcast_in_dim3A_267 : vector<128x1xf32> to vector<128x512xf32>
    %le3A_269 = arith.cmpf ole, %select_n3A_264, %le3A_268 : vector<128x512xf32>
    %jit3A_270 = arith.constant 512 : i32
    %broadcast_in_dim3A_271 = vector.broadcast %jit3A_270 : i32 to vector<128x512xi32>
    %select_n3A_272 = arith.select %le3A_269, %iota3A, %broadcast_in_dim3A_271 : vector<128x512xi1>, vector<128x512xi32>
    %reduce_min3A_273 = arith.constant dense<2147483647> : vector<128xi32>
    %reduce_min3A_274 = vector.multi_reduction <minsi>, %select_n3A_272, %reduce_min3A_273 [1] : vector<128x512xi32> to vector<128xi32>
    %broadcast_in_dim3A_275 = vector.shape_cast %reduce_min3A_274 : vector<128xi32> to vector<128x1xi32>
    %eq3A_276 = arith.constant 11 : i32
    %eq3A_277 = vector.broadcast %eq3A_276 : i32 to vector<128x16xi32>
    %eq3A_278 = arith.cmpi eq, %iota3A_15, %eq3A_277 : vector<128x16xi32>
    %convert_element_type3A_279 = arith.extui %eq3A_278 : vector<128x16xi1> to vector<128x16xi32>
    %mul3A_280 = vector.broadcast %broadcast_in_dim3A_275 : vector<128x1xi32> to vector<128x16xi32>
    %mul3A_281 = arith.muli %convert_element_type3A_279, %mul3A_280 : vector<128x16xi32>
    %add3A_282 = arith.addi %add3A_259, %mul3A_281 : vector<128x16xi32>
    %eq3A_283 = vector.broadcast %broadcast_in_dim3A_275 : vector<128x1xi32> to vector<128x512xi32>
    %eq3A_284 = arith.cmpi eq, %iota3A, %eq3A_283 : vector<128x512xi32>
    %jit3A_285 = arith.constant 0x7F800000 : f32
    %broadcast_in_dim3A_286 = vector.broadcast %jit3A_285 : f32 to vector<128x512xf32>
    %select_n3A_287 = arith.select %eq3A_284, %broadcast_in_dim3A_286, %select_n3A_264 : vector<128x512xi1>, vector<128x512xf32>
    %reduce_min3A_288 = arith.constant dense<0x7F800000> : vector<128xf32>
    %reduce_min3A_289 = vector.multi_reduction <minimumf>, %select_n3A_287, %reduce_min3A_288 [1] : vector<128x512xf32> to vector<128xf32>
    %broadcast_in_dim3A_290 = vector.shape_cast %reduce_min3A_289 : vector<128xf32> to vector<128x1xf32>
    %le3A_291 = vector.broadcast %broadcast_in_dim3A_290 : vector<128x1xf32> to vector<128x512xf32>
    %le3A_292 = arith.cmpf ole, %select_n3A_287, %le3A_291 : vector<128x512xf32>
    %jit3A_293 = arith.constant 512 : i32
    %broadcast_in_dim3A_294 = vector.broadcast %jit3A_293 : i32 to vector<128x512xi32>
    %select_n3A_295 = arith.select %le3A_292, %iota3A, %broadcast_in_dim3A_294 : vector<128x512xi1>, vector<128x512xi32>
    %reduce_min3A_296 = arith.constant dense<2147483647> : vector<128xi32>
    %reduce_min3A_297 = vector.multi_reduction <minsi>, %select_n3A_295, %reduce_min3A_296 [1] : vector<128x512xi32> to vector<128xi32>
    %broadcast_in_dim3A_298 = vector.shape_cast %reduce_min3A_297 : vector<128xi32> to vector<128x1xi32>
    %eq3A_299 = arith.constant 12 : i32
    %eq3A_300 = vector.broadcast %eq3A_299 : i32 to vector<128x16xi32>
    %eq3A_301 = arith.cmpi eq, %iota3A_15, %eq3A_300 : vector<128x16xi32>
    %convert_element_type3A_302 = arith.extui %eq3A_301 : vector<128x16xi1> to vector<128x16xi32>
    %mul3A_303 = vector.broadcast %broadcast_in_dim3A_298 : vector<128x1xi32> to vector<128x16xi32>
    %mul3A_304 = arith.muli %convert_element_type3A_302, %mul3A_303 : vector<128x16xi32>
    %add3A_305 = arith.addi %add3A_282, %mul3A_304 : vector<128x16xi32>
    %eq3A_306 = vector.broadcast %broadcast_in_dim3A_298 : vector<128x1xi32> to vector<128x512xi32>
    %eq3A_307 = arith.cmpi eq, %iota3A, %eq3A_306 : vector<128x512xi32>
    %jit3A_308 = arith.constant 0x7F800000 : f32
    %broadcast_in_dim3A_309 = vector.broadcast %jit3A_308 : f32 to vector<128x512xf32>
    %select_n3A_310 = arith.select %eq3A_307, %broadcast_in_dim3A_309, %select_n3A_287 : vector<128x512xi1>, vector<128x512xf32>
    %reduce_min3A_311 = arith.constant dense<0x7F800000> : vector<128xf32>
    %reduce_min3A_312 = vector.multi_reduction <minimumf>, %select_n3A_310, %reduce_min3A_311 [1] : vector<128x512xf32> to vector<128xf32>
    %broadcast_in_dim3A_313 = vector.shape_cast %reduce_min3A_312 : vector<128xf32> to vector<128x1xf32>
    %le3A_314 = vector.broadcast %broadcast_in_dim3A_313 : vector<128x1xf32> to vector<128x512xf32>
    %le3A_315 = arith.cmpf ole, %select_n3A_310, %le3A_314 : vector<128x512xf32>
    %jit3A_316 = arith.constant 512 : i32
    %broadcast_in_dim3A_317 = vector.broadcast %jit3A_316 : i32 to vector<128x512xi32>
    %select_n3A_318 = arith.select %le3A_315, %iota3A, %broadcast_in_dim3A_317 : vector<128x512xi1>, vector<128x512xi32>
    %reduce_min3A_319 = arith.constant dense<2147483647> : vector<128xi32>
    %reduce_min3A_320 = vector.multi_reduction <minsi>, %select_n3A_318, %reduce_min3A_319 [1] : vector<128x512xi32> to vector<128xi32>
    %broadcast_in_dim3A_321 = vector.shape_cast %reduce_min3A_320 : vector<128xi32> to vector<128x1xi32>
    %eq3A_322 = arith.constant 13 : i32
    %eq3A_323 = vector.broadcast %eq3A_322 : i32 to vector<128x16xi32>
    %eq3A_324 = arith.cmpi eq, %iota3A_15, %eq3A_323 : vector<128x16xi32>
    %convert_element_type3A_325 = arith.extui %eq3A_324 : vector<128x16xi1> to vector<128x16xi32>
    %mul3A_326 = vector.broadcast %broadcast_in_dim3A_321 : vector<128x1xi32> to vector<128x16xi32>
    %mul3A_327 = arith.muli %convert_element_type3A_325, %mul3A_326 : vector<128x16xi32>
    %add3A_328 = arith.addi %add3A_305, %mul3A_327 : vector<128x16xi32>
    %eq3A_329 = vector.broadcast %broadcast_in_dim3A_321 : vector<128x1xi32> to vector<128x512xi32>
    %eq3A_330 = arith.cmpi eq, %iota3A, %eq3A_329 : vector<128x512xi32>
    %jit3A_331 = arith.constant 0x7F800000 : f32
    %broadcast_in_dim3A_332 = vector.broadcast %jit3A_331 : f32 to vector<128x512xf32>
    %select_n3A_333 = arith.select %eq3A_330, %broadcast_in_dim3A_332, %select_n3A_310 : vector<128x512xi1>, vector<128x512xf32>
    %reduce_min3A_334 = arith.constant dense<0x7F800000> : vector<128xf32>
    %reduce_min3A_335 = vector.multi_reduction <minimumf>, %select_n3A_333, %reduce_min3A_334 [1] : vector<128x512xf32> to vector<128xf32>
    %broadcast_in_dim3A_336 = vector.shape_cast %reduce_min3A_335 : vector<128xf32> to vector<128x1xf32>
    %le3A_337 = vector.broadcast %broadcast_in_dim3A_336 : vector<128x1xf32> to vector<128x512xf32>
    %le3A_338 = arith.cmpf ole, %select_n3A_333, %le3A_337 : vector<128x512xf32>
    %jit3A_339 = arith.constant 512 : i32
    %broadcast_in_dim3A_340 = vector.broadcast %jit3A_339 : i32 to vector<128x512xi32>
    %select_n3A_341 = arith.select %le3A_338, %iota3A, %broadcast_in_dim3A_340 : vector<128x512xi1>, vector<128x512xi32>
    %reduce_min3A_342 = arith.constant dense<2147483647> : vector<128xi32>
    %reduce_min3A_343 = vector.multi_reduction <minsi>, %select_n3A_341, %reduce_min3A_342 [1] : vector<128x512xi32> to vector<128xi32>
    %broadcast_in_dim3A_344 = vector.shape_cast %reduce_min3A_343 : vector<128xi32> to vector<128x1xi32>
    %eq3A_345 = arith.constant 14 : i32
    %eq3A_346 = vector.broadcast %eq3A_345 : i32 to vector<128x16xi32>
    %eq3A_347 = arith.cmpi eq, %iota3A_15, %eq3A_346 : vector<128x16xi32>
    %convert_element_type3A_348 = arith.extui %eq3A_347 : vector<128x16xi1> to vector<128x16xi32>
    %mul3A_349 = vector.broadcast %broadcast_in_dim3A_344 : vector<128x1xi32> to vector<128x16xi32>
    %mul3A_350 = arith.muli %convert_element_type3A_348, %mul3A_349 : vector<128x16xi32>
    %add3A_351 = arith.addi %add3A_328, %mul3A_350 : vector<128x16xi32>
    %eq3A_352 = vector.broadcast %broadcast_in_dim3A_344 : vector<128x1xi32> to vector<128x512xi32>
    %eq3A_353 = arith.cmpi eq, %iota3A, %eq3A_352 : vector<128x512xi32>
    %jit3A_354 = arith.constant 0x7F800000 : f32
    %broadcast_in_dim3A_355 = vector.broadcast %jit3A_354 : f32 to vector<128x512xf32>
    %select_n3A_356 = arith.select %eq3A_353, %broadcast_in_dim3A_355, %select_n3A_333 : vector<128x512xi1>, vector<128x512xf32>
    %reduce_min3A_357 = arith.constant dense<0x7F800000> : vector<128xf32>
    %reduce_min3A_358 = vector.multi_reduction <minimumf>, %select_n3A_356, %reduce_min3A_357 [1] : vector<128x512xf32> to vector<128xf32>
    %broadcast_in_dim3A_359 = vector.shape_cast %reduce_min3A_358 : vector<128xf32> to vector<128x1xf32>
    %le3A_360 = vector.broadcast %broadcast_in_dim3A_359 : vector<128x1xf32> to vector<128x512xf32>
    %le3A_361 = arith.cmpf ole, %select_n3A_356, %le3A_360 : vector<128x512xf32>
    %jit3A_362 = arith.constant 512 : i32
    %broadcast_in_dim3A_363 = vector.broadcast %jit3A_362 : i32 to vector<128x512xi32>
    %select_n3A_364 = arith.select %le3A_361, %iota3A, %broadcast_in_dim3A_363 : vector<128x512xi1>, vector<128x512xi32>
    %reduce_min3A_365 = arith.constant dense<2147483647> : vector<128xi32>
    %reduce_min3A_366 = vector.multi_reduction <minsi>, %select_n3A_364, %reduce_min3A_365 [1] : vector<128x512xi32> to vector<128xi32>
    %broadcast_in_dim3A_367 = vector.shape_cast %reduce_min3A_366 : vector<128xi32> to vector<128x1xi32>
    %eq3A_368 = arith.constant 15 : i32
    %eq3A_369 = vector.broadcast %eq3A_368 : i32 to vector<128x16xi32>
    %eq3A_370 = arith.cmpi eq, %iota3A_15, %eq3A_369 : vector<128x16xi32>
    %convert_element_type3A_371 = arith.extui %eq3A_370 : vector<128x16xi1> to vector<128x16xi32>
    %mul3A_372 = vector.broadcast %broadcast_in_dim3A_367 : vector<128x1xi32> to vector<128x16xi32>
    %mul3A_373 = arith.muli %convert_element_type3A_371, %mul3A_372 : vector<128x16xi32>
    %add3A_374 = arith.addi %add3A_351, %mul3A_373 : vector<128x16xi32>
    %swap3A = arith.constant 0 : index
    %swap3A_375 = arith.constant 0 : index
    %swap3A_376 = arith.constant 0 : index
    %swap3A_377 = vector.load %arg4[%swap3A, %swap3A_375, %swap3A_376] : memref<1x128x16xi32, #tpu.memory_space<vmem>>, vector<1x128x16xi32>
    %swap3A_378 = vector.shape_cast %swap3A_377 : vector<1x128x16xi32> to vector<128x16xi32>
    %swap3A_379 = vector.shape_cast %add3A_374 : vector<128x16xi32> to vector<1x128x16xi32>
    tpu.vector_store %arg4[%swap3A, %swap3A_375, %swap3A_376], %swap3A_379 {strides = array<i32>} : memref<1x128x16xi32, #tpu.memory_space<vmem>>, vector<1x128x16xi32>,
    return
  }
  func.func @transform_0(%arg0: i32, %arg1: i32) -> (i32, i32, i32) {
    %c0_i32 = arith.constant 0 : i32
    %c0_i32_0 = arith.constant 0 : i32
    return %arg0, %c0_i32, %arg1 : i32, i32, i32
  }
  func.func @transform_1(%arg0: i32, %arg1: i32) -> (i32, i32, i32) {
    %c0_i32 = arith.constant 0 : i32
    %c0_i32_0 = arith.constant 0 : i32
    %c0_i32_1 = arith.constant 0 : i32
    return %arg0, %c0_i32, %c0_i32_0 : i32, i32, i32
  }
  func.func @transform_2(%arg0: i32, %arg1: i32) -> (i32, i32, i32) {
    %c0_i32 = arith.constant 0 : i32
    %c0_i32_0 = arith.constant 0 : i32
    return %arg0, %arg1, %c0_i32 : i32, i32, i32
  }
}

</mosaic_0001>

<sc_bundles>
// kernel: gather_offload_async_start
scs
__scs_entry_jumppad:
0x0: {  	(pc) =	sbr.rel $0x88, $3  }
0x1: {  	(tag) =	ssettag $0x0;
	lr =	simm.s32 $0x1  }
0x2: {  	[smem:$0x3F77] =	sst lr;
	_ =	strace $0xD0000000  }
0x3: {  	_ = 	snop  }
0x4: {  	_ = 	snop  }
0x5: {  	_ = 	snop  }
0x6: {  	_ = 	snop  }
0x7: {  	_ = 	snop  }
__scs_overlays_trampoline_lowered:
0x8: {  	[smem:$0x3F86] =	sst s0  }
0x9: {  	[smem:$0x3F87] =	sst s1  }
0xa: {  	[smem:$0x3F88] =	sst s2  }
0xb: {  	[smem:$0x3F89] =	sst s3  }
0xc: {  	[smem:$0x3F8A] =	sst s4  }
0xd: {  	[smem:$0x3F8B] =	sst s5  }
0xe: {  	[smem:$0x3F8C] =	sst s6  }
0xf: {  	[smem:$0x3F8D] =	sst s7  }
0x10: {  	[smem:$0x3F8E] =	sst s8  }
0x11: {  	[smem:$0x3F8F] =	sst s9;
	s0 =	simm.s32 @!p0 $0x0  }
0x12: {  	s1 =	sld [smem:$0x3F75];
	s0 =	simm.s32 @p0 $0x1  }
0x13: {  	[smem:$0x3F90] =	sst s0;
	s0 =	simm.s32 @!p1 $0x0  }
0x14: {  	s2 =	sld [smem:$0x3F74];
	s0 =	simm.s32 @p1 $0x1  }
0x15: {  	[smem:$0x3F91] =	sst s0;
	s0 =	simm.s32 @!p2 $0x0  }
0x16: {  	s3 =	sld [smem:$0x3FDB];
	s0 =	simm.s32 @p2 $0x1  }
0x17: {  	s4 =	simm.s32 $0x1BF5;
	[smem:$0x3F93] =	sst s0  }
0x18: {  	s0 =	sld [smem:$0x3F76];
	_ =	swait.ge [sflag:s4], $0x0  }
0x19: {  	s7 =	sld [smem:$0x3F77]  }
0x1a: {  	s8 =	sadd.s32 $0xFFFFE003, lr  }
0x1b: {  	s9 =	sadd.s32 $0xFFFFFEF7, lr;
	s5 =	simm.s32 $0xFFFFFFFF;
	p2 =	slt.u32 s8, $0xFFFFF086  }
0x1c: {  	p1 =	slt.u32 s9, $0xF7A;
	s5 =	simm.s32 @!p2 $0x0  }
0x1d: {  	s5 =	simm.s32 @p1 $0x1;
	p0 =	seq.s32 s7, s2  }
0x1e: {  	s7 =	smul.u32 @!p0 $0xF7A, s2;
	p2 =	seq.s32 @!p0 s5, $0x0  }
0x1f: {  	s9 =	smul.u32 $0xF7A, s1;
	s8 =	simm.s32 @!p0 $0x1BF5;
	p2 =	por !p2, p0  }
0x20: {  	[sflag:s8] =	ssyncset.s32 @!p0 $0xFFFFF086;
	s6 =	sadd.s32 @!p0 s3, s7;
	s7 =	simm.s32 @!p0 $0x108  }
0x21: {  	s3 =	sadd.s32 s3, s9;
	s6 =	sadd.s32 @!p0 $0x88, s6;
	s7 =	simm.s32 @p2 $0x1082  }
0x22: {  	[simem:s7], [sflag:s8] =	dma.local @!p0 [hbm:s6], $0xF7A  }
0x23: {  	s9 =	sor.u32 $0xD0000000, s2;
	s6 =	simm.s32 $0x108;
	_ =	swait.ge @!p0 [sflag:s8], $0x0  }
0x24: {  	s3 =	sadd.s32 $0x88, s3;
	s6 =	simm.s32 @!p1 $0x1082;
	[sflag:s4] =	ssyncset.s32 $0xFFFFF086  }
0x25: {  	[simem:s6], [sflag:s4] =	dma.local [hbm:s3], $0xF7A  }
0x26: {  	[smem:$0x3F77] =	sst s1;
	(tag) =	ssettag s2;
	_ =	strace s9  }
0x27: {  	s1 =	sld [smem:$0x3F87]  }
0x28: {  	s2 =	sld [smem:$0x3F88]  }
0x29: {  	s4 =	sld [smem:$0x3F8A]  }
0x2a: {  	p0 =	seq.s32 s5, $0x0;
	s5 =	sld [smem:$0x3F8B]  }
0x2b: {  	s6 =	sld [smem:$0x3F8C]  }
0x2c: {  	s7 =	sld [smem:$0x3F8D]  }
0x2d: {  	s3 =	simm.s32 $0x108;
	s8 =	sld [smem:$0x3F8E]  }
0x2e: {  	s3 =	simm.s32 @!p0 $0x1082;
	s9 =	sld [smem:$0x3F8F]  }
0x2f: {  	lr =	sadd.s32 s0, s3;
	s0 =	sld [smem:$0x3F86]  }
0x30: {  	s3 =	sld [smem:$0x3F89]  }
0x31: {  	[smem:$0x3F92] =	sst s10  }
0x32: {  	s10 =	sld [smem:$0x3F90];
	_ =	sdelay $0x3  }
0x33: {  	p0 =	seq.s32 s10, $0x1;
	s10 =	sld [smem:$0x3F92];
	_ =	sdelay $0x3  }
0x34: {  	[smem:$0x3F92] =	sst s10  }
0x35: {  	s10 =	sld [smem:$0x3F91];
	_ =	sdelay $0x3  }
0x36: {  	p1 =	seq.s32 s10, $0x1;
	s10 =	sld [smem:$0x3F92];
	_ =	sdelay $0x3  }
0x37: {  	[smem:$0x3F92] =	sst s10  }
0x38: {  	s10 =	sld [smem:$0x3F93]  }
0x39: {  	_ = 	snop;
	(pc) =	sbr.ind lr, $3  }
0x3a: {  	_ = 	snop  }
0x3b: {  	_ = 	snop  }
0x3c: {  	p2 =	seq.s32 s10, $0x1;
	s10 =	sld [smem:$0x3F92]  }
0x3d: {  	_ =	shalt  }
0x3e: {  	_ =	shalt  }
0x3f: {  	_ =	shalt  }
0x40: {  	_ =	shalt  }
0x41: {  	_ =	shalt  }
0x42: {  	_ =	shalt  }
0x43: {  	_ =	shalt  }
0x44: {  	_ =	shalt  }
0x45: {  	_ =	shalt  }
0x46: {  	_ =	shalt  }
0x47: {  	_ =	shalt  }
0x48: {  	_ =	shalt  }
0x49: {  	_ =	shalt  }
0x4a: {  	_ =	shalt  }
0x4b: {  	_ =	shalt  }
0x4c: {  	_ =	shalt  }
0x4d: {  	_ =	shalt  }
0x4e: {  	_ =	shalt  }
0x4f: {  	_ =	shalt  }
0x50: {  	_ =	shalt  }
0x51: {  	_ =	shalt  }
0x52: {  	_ =	shalt  }
0x53: {  	_ =	shalt  }
0x54: {  	_ =	shalt  }
0x55: {  	_ =	shalt  }
0x56: {  	_ =	shalt  }
0x57: {  	_ =	shalt  }
0x58: {  	_ =	shalt  }
0x59: {  	_ =	shalt  }
0x5a: {  	_ =	shalt  }
0x5b: {  	_ =	shalt  }
0x5c: {  	_ =	shalt  }
0x5d: {  	_ =	shalt  }
0x5e: {  	_ =	shalt  }
0x5f: {  	_ =	shalt  }
0x60: {  	_ =	shalt  }
0x61: {  	_ =	shalt  }
0x62: {  	_ =	shalt  }
0x63: {  	_ =	shalt  }
0x64: {  	_ =	shalt  }
0x65: {  	_ =	shalt  }
0x66: {  	_ =	shalt  }
0x67: {  	_ =	shalt  }
0x68: {  	_ =	shalt  }
0x69: {  	_ =	shalt  }
0x6a: {  	_ =	shalt  }
0x6b: {  	_ =	shalt  }
0x6c: {  	_ =	shalt  }
0x6d: {  	_ =	shalt  }
0x6e: {  	_ =	shalt  }
0x6f: {  	_ =	shalt  }
0x70: {  	_ =	shalt  }
0x71: {  	_ =	shalt  }
0x72: {  	_ =	shalt  }
0x73: {  	_ =	shalt  }
0x74: {  	_ =	shalt  }
0x75: {  	_ =	shalt  }
0x76: {  	_ =	shalt  }
0x77: {  	_ =	shalt  }
0x78: {  	_ =	shalt  }
0x79: {  	_ =	shalt  }
0x7a: {  	_ =	shalt  }
0x7b: {  	_ =	shalt  }
0x7c: {  	_ =	shalt  }
0x7d: {  	_ =	shalt  }
0x7e: {  	_ =	shalt  }
0x7f: {  	_ =	shalt  }
0x80: {  	_ =	shalt  }
0x81: {  	_ =	shalt  }
0x82: {  	_ =	shalt  }
0x83: {  	_ =	shalt  }
0x84: {  	_ =	shalt  }
0x85: {  	_ =	shalt  }
0x86: {  	_ =	shalt  }
0x87: {  	_ =	shalt  }
.Lfunc_end0:
.L_simem_size_0:
called_computation_lowered:
.L_overlay_start_0:
0x88: {  	s2 =	sld [smem:$0x3FD9]  }
0x89: {  	s3 =	sld [smem:$0x3FFE];
	_ =	sdelay $0x1  }
0x8a: {  	s1 =	srdreg.scid  }
0x8b: {  	s0 =	sand.u32 $0x1, s1  }
0x8c: {  	s17 =	sshll.u32 s0, $0xA;
	s2 =	sadd.s32 s3, s2  }
0x8d: {  	s2 =	sadd.s32 s2, s17  }
0x8e: {  	[smem:$0x3F9E] =	sst s2  }
0x8f: {  	_ = 	snop  }
0x90: {  	s2 =	sld [smem:$0x3FD0];
	(tm) =	ssettm $0x1  }
0x91: {  	s18 =	sld [smem:$0x3FFB];
	_ =	sdelay $0x3  }
0x92: {  	_ =	strace s18  }
0x93: {  	s3 =	sld [smem:$0x3FFC];
	_ =	sdelay $0x3  }
0x94: {  	_ =	strace s3  }
0x95: {  	s3 =	sld [smem:$0x3FFD];
	_ =	sdelay $0x3  }
0x96: {  	_ =	strace s3  }
0x97: {  	_ =	strace $0x8FFFFFFF  }
0x98: {  	s19 =	sld [smem:$0x3FDB];
	_ =	sdelay $0x1  }
0x99: {  	s4 =	simm.s32 $_scs_section_size  }
0x9a: {  	s5 =	simm.s32 $_size__tile_overlayer_lowered;
	s6 =	simm.s32 $_tile_overlayer_lowered  }
0x9b: {  	s22 =	simm.s32 $0x1BFF;
	s21 =	sshll.u32 s6, $0x1;
	s3 =	sadd.s32 s4, s19  }
0x9c: {  	s7 =	simm.s32 $0x0;
	s20 =	sshll.u32 s5, $0x1;
	s5 =	sadd.s32 s21, s3  }
0x9d: {  	[timem:s7], [sflag:s22] =	dma.local [hbm:s5], s20  }
0x9e: {  	_ =	swait.ge [sflag:s22], s20  }
0x9f: {  	s4 =	ssub.s32 $0x0, s20;
	[sflag:s22] =	ssyncset.done $0x0  }
0xa0: {  	[sflag:s22] =	ssyncadd.s32 s4;
	_ =	sdelay $0x1  }
0xa1: {  	s23 =	simm.s32 $0x1B8B  }
0xa2: {  	_ =	swait.ge [sflag:s23], $0x1  }
0xa3: {  	[sflag:s23] =	ssyncset.done $0x0  }
0xa4: {  	s25 =	simm.s32 $0x1B8E;
	s24 =	sld [smem:$0x3FFE];
	[sflag:s23] =	ssyncadd.s32 $0xFFFFFFFF  }
0xa5: {  	s26 =	simm.s32 $execute0_lowered;
	[smem:$0x3FD2] =	sst s25  }
0xa6: {  	s5 =	sshll.u32 s26, $0x1;
	_ =	strace $0x80000046;
	[dreg:$0x1] =	wrdreg $0xFFFFFFFF  }
0xa7: {  	s28 =	simm.s32 $_size_execute0_lowered;
	s3 =	sadd.s32 s3, s5;
	[dreg:$0x0] =	wrdreg $0x0  }
0xa8: {  	s5 =	sshll.u32 s28, $0x1;
	[dreg:$0x2] =	wrdreg s3  }
0xa9: {  	[dreg:$0x3] =	wrdreg s5  }
0xaa: {  	[dreg:$0x4] =	wrdreg $0xC0  }
0xab: {  	_ =	task [dreg:s7], $0x5FFFF  }
0xac: {  	[dreg:$0x1] =	wrdreg $0xFFFFFFFF  }
0xad: {  	[dreg:$0x0] =	wrdreg $0x60  }
0xae: {  	[dreg:$0x2] =	wrdreg s24  }
0xaf: {  	[dreg:$0x3] =	wrdreg s2  }
0xb0: {  	[dreg:$0x4] =	wrdreg $0x9  }
0xb1: {  	_ =	task.clear_ibuf [dreg:s7], $0x5FFFF;
	_ =	strace $0x90000046  }
0xb2: {  	s29 =	simm.s32 $0x9;
	_ =	strace $0x80000048  }
0xb3: {  	_ =	swait.ge [sflag:s29], $0x1  }
0xb4: {  	[sflag:s29] =	ssyncadd.s32 $0xFFFFFFFF  }
0xb5: {  	_ =	strace $0x90000048  }
0xb6: {  	_ =	sfence  }
0xb7: {  	s30 =	sld [smem:$0x0];
	_ =	sdelay $0x2  }
0xb8: {  	s31 =	sshll.u32 s1, $0xD;
	s1 =	sshrl.u32 s1, $0x2  }
0xb9: {  	s3 =	sand.u32 $0x4000, s31;
	s1 =	sadd.s32 s1, s30  }
0xba: {  	s0 =	sor.u32 s3, s0;
	s1 =	sshll.u32 s1, $0x11  }
0xbb: {  	s0 =	sor.u32 s1, s0  }
0xbc: {  	s0 =	sadd.s32 $0x8F2B, s0  }
0xbd: {  	[sflag:s0] =	ssyncadd.remote.s32 $0x1  }
0xbe: {  	_ =	sfence.sel $0xFFFF  }
0xbf: {  	[dreg:$0x0] =	wrdreg $0xFFFFFFFF;
	(pc) =	sbr.abs _section_cstart, $3  }
0xc0: {  	[dreg:$0x1] =	wrdreg $0xFFFFFFFF  }
0xc1: {  	_ =	task.clear_ibuf [dreg:s7], $0x2FFFF;
	_ =	strace $0x9FFFFFFF  }
0xc2: {  	(tm) =	ssettm $0x7FFFFFFF  }
0xc3: {  	_ =	shalt  }
tec
execute0_lowered:
.L_overlay_start_1:
0x0: {  	(tag) =	ssettag $0x1  }
0x1: {  	s7 =	rddreg [dreg:$0x0]  }
0x2: {  	s2 =	rddreg [dreg:$0x1]  }
0x3: {  	s0 =	rddreg [dreg:$0x2]  }
0x4: {  	s1 =	srdreg.scid;
	_ =	strace $0x80000047;
	s4 =	simm.s32 $0x1  }
0x5: {  	s9 =	simm.s32 $0x3;
	s12 =	simm.s32 $0x0;
	s5 =	sshll.u32 s1, $0x4  }
.Ltmp0:
0x6: {  	s1 =	stileid.u32;
	s5 =	sand.u32 $0x10, s5;
	(pc) =	sbr.rel .LBB2_1-.Ltmp0, $4  }
0x7: {  	s10 =	simm.s32 $0x0;
	s3 =	sadd.s32 $0xE00, s7;
	s6 =	sor.u32 s1, s5  }
0x8: {  	[sflag:s4] =	ssyncpa.u1 $0x0;
	s5 =	simm.s32 $0x2;
	s6 =	sshll.u32 s6, $0x6  }
0x9: {  	s7 =	sadd.s32 $0x20E00, s7;
	[sflag:s5] =	ssyncpa.u1 $0x0;
	s8 =	sadd.s32 $0x40, s6  }
0xa: {  	vm0 =	vmmov $0xff;
	vm1 =	vcmask $0x3F20;
	[sflag:s9] =	ssyncpa.u1 $0x0;
	s9 =	simm.s32 $0x40;
	s11 =	smov.u32 s6  }
.LBB2_9:
0xb: {  	p0 =	seq.s32 s10, $0x2  }
.Ltmp1:
0xc: {  	_ = 	snop;
	(pc) =	sbr.rel @p0 .LBB2_11-.Ltmp1, $1  }
0xd: {  	_ =	sdelay $0x3  }
.LBB2_10:
0xe: {  	s12 =	sadd.s32 $0x40, s11  }
0xf: {  	s13 =	smov.u32 s6;
	p0 =	slt.s32 s12, s8  }
0x10: {  	s13 =	smov.u32 @p0 s12  }
0x11: {  	s10 =	sadd.s32 $0x1, s10;
	s12 =	smov.u32 s11;
	s11 =	smov.u32 s13  }
.LBB2_1:
0x12: {  	p0 =	sne.s32 s10, $0x0  }
.Ltmp2:
0x13: {  	_ = 	snop;
	(pc) =	sbr.rel @!p0 .LBB2_2-.Ltmp2, $1  }
0x14: {  	_ =	sdelay $0x3  }
0x15: {  	s13 =	sand.u32 $0x1, s10  }
0x16: {  	p0 =	seq.s32 s13, $0x0  }
.Ltmp3:
0x17: {  	_ = 	snop;
	(pc) =	sbr.rel @p0 .LBB2_9-.Ltmp3, $1  }
0x18: {  	_ =	sdelay $0x3  }
0x19: {  	_ =	swait.ge [sflag:s5], $0x40  }
0x1a: {  	[sflag:s5] =	ssyncset.done $0x0  }
0x1b: {  	s13 =	simm.s32 $0x0;
	[sflag:s5] =	ssyncadd.s32 $0xFFFFFFC0  }
0x1c: {  	v0 =	vld.msk [tilespmem:s13+$0x40 ss:$0x1], $0xffff;
	_ =	sdelay $0x4  }
0x1d: {  	v1 =	vshll.u32 v0, $0x5  }
0x1e: {  	vm2 =	veq.s32 v0, $0x80000000;
	v0 =	vshll.u32 v0, $0x12;
	v1 =	vand.u32 $0x3FF80, v1  }
0x1f: {  	v0 =	vand.u32 $0xC0000, v0;
	v1 =	vsel vm2, $0xFFFFFF80, v1  }
0x20: {  	v0 =	vsel vm2, $0xFFFC0000, v0;
	v2 =	vand.u32 $0xFFFFFC00, v1  }
0x21: {  	v1 =	vand.u32 $0x380, v1;
	v0 =	vadd.s32 v0, v2  }
0x22: {  	v0 =	vor.u32 v1, v0  }
0x23: {  	v0 =	vshrl.u32 v0, $0x3;
	_ =	sdelay $0x3  }
0x24: {  	s13 =	simm.s32 $0x2080  }
0x25: {  	[tilespmem:s13], [sflag:$0x1] =	stream.indirect_vreg.gather [hbm:s3], $0x80, v0, vm0, $0x38;
	[tilespmem:$0x4080] =	vst v63  }
0x26: {  	s14 =	simm.s32 $0x2480;
	s31 =	simm.s32 $0x10  }
0x27: {  	[tilespmem:s14], [sflag:$0x1] =	stream.indirect_vreg.gather [hbm:s3], $0x80, v0, vm1, $0x38;
	[tilespmem:$0x4080] =	vst v63  }
0x28: {  	s14 =	simm.s32 $0x80;
	v0 =	vld.msk [tilespmem:s31+$0x40 ss:$0x1], $0xffff  }
.LBB2_5:
0x29: {  	p0 =	sne.s32 s14, $0xC0;
	_ =	sdelay $0x4  }
0x2a: {  	v1 =	vshll.u32 v0, $0x5  }
0x2b: {  	vm2 =	veq.s32 v0, $0x80000000;
	v0 =	vshll.u32 v0, $0x12;
	v1 =	vand.u32 $0x3FF80, v1  }
0x2c: {  	v0 =	vand.u32 $0xC0000, v0;
	v1 =	vsel vm2, $0xFFFFFF80, v1  }
0x2d: {  	v0 =	vsel vm2, $0xFFFC0000, v0;
	v2 =	vand.u32 $0xFFFFFC00, v1  }
0x2e: {  	v1 =	vand.u32 $0x380, v1;
	v0 =	vadd.s32 v0, v2  }
0x2f: {  	v0 =	vor.u32 v1, v0  }
0x30: {  	v0 =	vshrl.u32 v0, $0x3;
	_ =	sdelay $0x3  }
.Ltmp4:
0x31: {  	s13 =	sadd.s32 $0x800, s13;
	(pc) =	sbr.rel @p0 .LBB2_5-.Ltmp4, $4  }
0x32: {  	[tilespmem:s13], [sflag:$0x1] =	stream.indirect_vreg.gather [hbm:s3], $0x80, v0, vm0, $0x38;
	[tilespmem:$0x4080] =	vst v63  }
0x33: {  	s15 =	sshra.s32 s14, $0x2;
	s16 =	sadd.s32 $0x400, s13  }
0x34: {  	[tilespmem:s16], [sflag:$0x1] =	stream.indirect_vreg.gather [hbm:s3], $0x80, v0, vm1, $0x38;
	[tilespmem:$0x4080] =	vst v63  }
0x35: {  	s14 =	sadd.s32 $0x40, s14;
	v0 =	vld.msk [tilespmem:s15+$0x40 ss:$0x1], $0xffff  }
0x36: {  	_ =	sdelay $0x3  }
0x37: {  	v1 =	vshll.u32 v0, $0x5  }
0x38: {  	vm2 =	veq.s32 v0, $0x80000000;
	v63 =	vshll.u32 v0, $0x12;
	v1 =	vand.u32 $0x3FF80, v1  }
0x39: {  	v0 =	vand.u32 $0xC0000, v63;
	v1 =	vsel vm2, $0xFFFFFF80, v1  }
0x3a: {  	v0 =	vsel vm2, $0xFFFC0000, v0;
	v2 =	vand.u32 $0xFFFFFC00, v1  }
0x3b: {  	v1 =	vand.u32 $0x380, v1;
	v0 =	vadd.s32 v0, v2  }
0x3c: {  	v0 =	vor.u32 v1, v0  }
0x3d: {  	v0 =	vshrl.u32 v0, $0x3;
	_ =	sdelay $0x3  }
0x3e: {  	s13 =	sadd.s32 $0x800, s13  }
0x3f: {  	[tilespmem:s13], [sflag:$0x1] =	stream.indirect_vreg.gather [hbm:s3], $0x80, v0, vm0, $0x38;
	[tilespmem:$0x4080] =	vst v63  }
0x40: {  	s13 =	sadd.s32 $0x400, s13  }
0x41: {  	[tilespmem:s13], [sflag:$0x1] =	stream.indirect_vreg.gather [hbm:s3], $0x80, v0, vm1, $0x38;
	[tilespmem:$0x4080] =	vst v63  }
0x42: {  	s12 =	sshll.u32 s12, $0x4;
	s14 =	simm.s32 $0x80;
	_ =	swait.ge [sflag:s4], $0x2000  }
0x43: {  	s15 =	simm.s32 $0x2480;
	s12 =	sadd.s32 s12, s7;
	[sflag:s4] =	ssyncset.done $0x0  }
0x44: {  	s16 =	sadd.s32 $0x0, s12;
	s13 =	simm.s32 $0x2080;
	[sflag:s4] =	ssyncadd.s32 $0xFFFFE000  }
.LBB2_7:
0x45: {  	[hbm:s16] =	stream.linear.scatter [tilespmem:s13], [sflag:$0x3], $0x400, $0x38;
	[tilespmem:$0x4080] =	vst v63  }
0x46: {  	s16 =	smov.u32 s14;
	s13 =	smov.u32 s15;
	p0 =	sne.s32 s14, $0x380  }
.Ltmp5:
0x47: {  	s14 =	sadd.s32 $0x80, s14;
	(pc) =	sbr.rel @p0 .LBB2_7-.Ltmp5, $2  }
0x48: {  	_ =	sdelay $0x2  }
0x49: {  	s15 =	sadd.s32 $0x400, s15;
	s16 =	sadd.s32 s16, s12  }
.Ltmp6:
0x4a: {  	(pc) =	sbr.rel .LBB2_9-.Ltmp6, $2  }
0x4b: {  	_ =	sdelay $0x2  }
0x4c: {  	[hbm:s16] =	stream.linear.scatter [tilespmem:s13], [sflag:$0x3], $0x400, $0x38;
	[tilespmem:$0x4080] =	vst v63  }
.LBB2_2:
.Ltmp7:
0x4d: {  	(pc) =	sbr.rel .LBB2_10-.Ltmp7, $4  }
0x4e: {  	_ = 	snop  }
0x4f: {  	s12 =	sshrl.u32 s11, $0x3  }
0x50: {  	s13 =	sand.u32 $0x7, s11;
	s12 =	sadd.s32 s2, s12  }
0x51: {  	[tilespmem:s9], [sflag:$0x2] =	stream.linear.gather [hbm4b:s12+s13], $0x40, $0x38;
	[tilespmem:$0x4080] =	vst v63  }
.LBB2_11:
0x52: {  	s2 =	simm.s32 $0x3  }
0x53: {  	_ =	swait.ge [sflag:s2], $0x2000  }
0x54: {  	[sflag:s2] =	ssyncset.done $0x0  }
0x55: {  	[sflag:s2] =	ssyncadd.s32 $0xFFFFE000  }
0x56: {  	_ =	sfence.sel $0x180000  }
0x57: {  	s3 =	simm.s32 $0x2;
	[bflag:$0x0] =	sbarrier.arrive $0xFFFF  }
0x58: {  	[sflag:s3] =	ssyncpa.u1 $0x1  }
0x59: {  	s31 =	simm.s32 $0x1;
	[sflag:s2] =	ssyncpa.u1 $0x1  }
0x5a: {  	[sflag:s31] =	ssyncpa.u1 $0x1  }
0x5b: {  	p0 =	sne.s32 s1, $0x0;
	_ =	strace $0x90000047  }
0x5c: {  	s0 =	sadd.s32 @!p0 $0x100000, s0;
	[bflag:$0x2] =	sbarrier.arrive $0xFFFF  }
0x5d: {  	[sflag:s0] =	ssyncadd.tile.s32 @!p0 $0x1;
	_ =	shalt  }
.Lfunc_end2:
_tile_overlayer_lowered:
.L_overlay_start_2:
0x5e: {  	(tag) =	ssettag $0x2  }
0x5f: {  	s0 =	rddreg [dreg:$0x0];
	s2 =	stileid.u32  }
0x60: {  	s1 =	rddreg [dreg:$0x1];
	p0 =	sne.s32 s2, $0x0  }
0x61: {  	s3 =	rddreg [dreg:$0x2];
	[bflag:$0x3] =	sbarrier.arrive $0xFFFF;
	s2 =	simm.s32 @!p0 $0x1C01  }
0x62: {  	[timem:s3], [sflag:s2] =	dma.local @!p0 [hbm:s0], s1  }
0x63: {  	s0 =	simm.s32 @!p0 $0x1  }
0x64: {  	_ =	swait.ge @!p0 [sflag:s0], s1  }
0x65: {  	s1 =	ssub.s32 @!p0 $0x0, s1;
	[sflag:s0] =	ssyncset.done @!p0 $0x0  }
0x66: {  	[sflag:s0] =	ssyncadd.s32 @!p0 s1  }
0x67: {  	[bflag:$0x3] =	sbarrier.arrive $0xFFFF  }
0x68: {  	_ =	shalt  }

</sc_bundles>
